<compile_context>
chip_gen: v7x
topology: tpu7x:2x2x1
jax: 0.10.2.dev20260603
libtpu: 0.0.44.dev20260713+nightly
codegen_flags: <defaults>
</compile_context>

<pallas_src>
import functools

import jax
import jax.numpy as jnp
from jax import lax
from jax.experimental import pallas as pl
from jax.experimental.pallas import tpu as pltpu
from jax.experimental.pallas import tpu_sc as plsc

_V = 1000000
_D = 64
_B = 16384

_NC = 2
_NS = 16
_NW = _NC * _NS
_BPW = _B // _NW
_CHUNK = 128
_NCH = _BPW // _CHUNK


def _sc_partials(cw, xw, cemb, xemb):
    mesh = plsc.VectorSubcoreMesh(core_axis_name="c", subcore_axis_name="s")

    @functools.partial(
        pl.kernel,
        mesh=mesh,
        compiler_params=pltpu.CompilerParams(
            needs_layout_passes=False, use_tc_tiling_on_sc=False),
        out_type=jax.ShapeDtypeStruct((2 * _NW, 16), jnp.float32),
        scratch_types=[
            pltpu.VMEM((_NCH, _CHUNK), jnp.int32),
            pltpu.VMEM((_NCH, _CHUNK), jnp.int32),
            pltpu.VMEM((_BPW, _D), jnp.float32),
            pltpu.VMEM((_BPW, _D), jnp.float32),
            pltpu.VMEM((16,), jnp.float32),
            pltpu.VMEM((16,), jnp.float32),
            pltpu.SemaphoreType.DMA,
        ],
    )
    def k(cw_hbm, xw_hbm, cemb_hbm, xemb_hbm, out_hbm,
          idxc, idxx, rowsc, rowsx, resm, rese, sem):
        wid = lax.axis_index("s") * _NC + lax.axis_index("c")
        base = wid * _BPW

        for j in range(_NCH):
            pltpu.sync_copy(cw_hbm.at[pl.ds(base + j * _CHUNK, _CHUNK)],
                            idxc.at[j])
            pltpu.sync_copy(xw_hbm.at[pl.ds(base + j * _CHUNK, _CHUNK)],
                            idxx.at[j])

        cps = []
        for j in range(_NCH):
            cps.append(pltpu.async_copy(
                cemb_hbm.at[idxc.at[j]],
                rowsc.at[pl.ds(j * _CHUNK, _CHUNK)], sem))
            cps.append(pltpu.async_copy(
                xemb_hbm.at[idxx.at[j]],
                rowsx.at[pl.ds(j * _CHUNK, _CHUNK)], sem))
        for cp in cps:
            cp.wait()

        lanes = lax.iota(jnp.int32, 16)
        zero = jnp.zeros((16,), jnp.float32)

        def tile_body(t, carry):
            sm, se = carry
            base_r = t * 16
            dvec = zero
            for i in range(16):
                r = base_r + i
                p = zero
                for kk in range(_D // 16):
                    a = rowsc[r, pl.ds(kk * 16, 16)]
                    b = rowsx[r, pl.ds(kk * 16, 16)]
                    p = p + a * b
                dot = jnp.sum(p)
                dvec = dvec + jnp.where(lanes == i, dot, 0.0)
            return sm + dvec, se + jnp.exp(dvec)

        sm, se = lax.fori_loop(0, _BPW // 16, tile_body, (zero, zero))
        resm[...] = sm
        rese[...] = se
        pltpu.sync_copy(resm, out_hbm.at[wid])
        pltpu.sync_copy(rese, out_hbm.at[_NW + wid])

    return k(cw, xw, cemb, xemb)


def _tc_finish(p_ref, o_ref):
    x = p_ref[...]
    t = jnp.sum(x[:_NW])
    s = jnp.sum(x[_NW:])
    o_ref[...] = jnp.reshape(jnp.float32(_B) * jnp.log(s) - t, (1, 1))


def kernel(center_word, context_word, center_emb, context_emb):
    cw = center_word.astype(jnp.int32)
    xw = context_word.astype(jnp.int32)
    parts = _sc_partials(cw, xw, center_emb, context_emb)
    loss = pl.pallas_call(
        _tc_finish,
        out_shape=jax.ShapeDtypeStruct((1, 1), jnp.float32),
    )(parts)
    return loss[0, 0]

# --- scband reference (transcript-rebuilt; emitter-appended) ---
"""Pipeline reference for scband-word-vec-69707319214630 (READ-ONLY COPY).

The authoritative reference and input builder live on the scoring server;
editing this copy changes nothing except your own understanding.
"""

import math
import jax, jax.numpy as jnp
import numpy as np

V = 1000000
D = 64
B = 16384

def setup_inputs(seed: int = 0) -> dict:
    key = jax.random.key(seed)
    k1, k2, k3, k4 = jax.random.split(key, 4)
    center_word = jax.random.randint(k1, (B,), 0, V)
    context_word = jax.random.randint(k2, (B,), 0, V)
    std = 1.0 / math.sqrt(D)
    center_emb = jax.random.normal(k3, (V, D), dtype=jnp.float32) * std
    center_emb = jnp.clip(center_emb, -1.0, 1.0)
    context_emb = jax.random.normal(k4, (V, D), dtype=jnp.float32) * std
    context_emb = jnp.clip(context_emb, -1.0 + 1e-10, 1.0 - 1e-10)
    return {
        "center_word": center_word,
        "context_word": context_word,
        "center_emb": center_emb,
        "context_emb": context_emb,
    }

def reference(center_word, context_word, center_emb, context_emb):
    # negative_log_likelihood_loss path of WordVec.forward (loss_func='nll')
    center_embeds = jnp.take(center_emb, center_word, axis=0)
    context_embeds = jnp.take(context_emb, context_word, axis=0)
    mul = jnp.sum(context_embeds * center_embeds, axis=-1)
    log_sum_exp = jnp.log(jnp.sum(jnp.exp(mul)))
    loss = jnp.sum(log_sum_exp - mul)
    return loss

if __name__ == "__main__":
    import jax
    _d = setup_inputs()
    print(jax.jit(kernel)(*tuple(_d.values())))

</pallas_src>

<mosaic_0001>
#map = affine_map<(d0, d1) -> (0)>
#map1 = affine_map<(d0, d1) -> (0, 0)>
module attributes {stable_mosaic.version = 14 : i64} {
  func.func @k(%arg0: i32, %arg1: i32, %arg2: memref<16384xi32, #tpu.memory_space<hbm>>, %arg3: memref<16384xi32, #tpu.memory_space<hbm>>, %arg4: memref<1000000x64xf32, #tpu.memory_space<hbm>>, %arg5: memref<1000000x64xf32, #tpu.memory_space<hbm>>, %arg6: memref<64x16xf32, #tpu.memory_space<hbm>>, %arg7: memref<4x128xi32, #tpu.memory_space<vmem>>, %arg8: memref<4x128xi32, #tpu.memory_space<vmem>>, %arg9: memref<512x64xf32, #tpu.memory_space<vmem>>, %arg10: memref<512x64xf32, #tpu.memory_space<vmem>>, %arg11: memref<16xf32, #tpu.memory_space<vmem>>, %arg12: memref<16xf32, #tpu.memory_space<vmem>>, %arg13: memref<!tpu.dma_semaphore, #tpu.memory_space<semaphore_mem>>) attributes {dimension_semantics = [#tpu.dimension_semantics<core_parallel>, #tpu.dimension_semantics<subcore_parallel>], iteration_bounds = array<i64: 2, 16>, scalar_prefetch = 0 : i64, scratch_operands = 7 : i64, tpu.core_type = #tpu.core_type<sc_vector_subcore>, window_params = [{transform_indices = #map}, {transform_indices = #map}, {transform_indices = #map1}, {transform_indices = #map1}, {transform_indices = #map1}]} {
    %mul3A = arith.constant 2 : i32
    %mul3A_0 = arith.muli %arg1, %mul3A : i32
    %add3A = arith.addi %mul3A_0, %arg0 : i32
    %mul3A_1 = arith.constant 512 : i32
    %mul3A_2 = arith.muli %add3A, %mul3A_1 : i32
    %add3A_3 = arith.constant 0 : i32
    %add3A_4 = arith.addi %mul3A_2, %add3A_3 : i32
    %run_scoped3A = arith.constant 0 : i32
    "tpu.region"() ({
      %run_scoped3A_195 = tpu.sem_alloc : memref<!tpu.dma_semaphore, #tpu.memory_space<semaphore_mem>>
      %dma_start3A_196 = arith.constant 0 : i32
      %dma_start3A_197 = tpu.memref_slice %arg7[%run_scoped3A, %dma_start3A_196] : memref<4x128xi32, #tpu.memory_space<vmem>> -> memref<1x128xi32, #tpu.memory_space<vmem>>
      %dma_start3A_198 = tpu.memref_squeeze %dma_start3A_197 : memref<1x128xi32, #tpu.memory_space<vmem>> -> memref<128xi32, #tpu.memory_space<vmem>>
      %dma_start3A_199 = tpu.memref_slice %arg2[%add3A_4] : memref<16384xi32, #tpu.memory_space<hbm>> -> memref<128xi32, #tpu.memory_space<hbm>>
      %dma_start3A_200 = arith.constant 0 : i32
      %dma_start3A_201 = tpu.memref_slice %arg7[%run_scoped3A, %dma_start3A_200] : memref<4x128xi32, #tpu.memory_space<vmem>> -> memref<1x128xi32, #tpu.memory_space<vmem>>
      %dma_start3A_202 = tpu.memref_squeeze %dma_start3A_201 : memref<1x128xi32, #tpu.memory_space<vmem>> -> memref<128xi32, #tpu.memory_space<vmem>>
      %dma_start3A_203 = tpu.memref_slice %arg2[%add3A_4] : memref<16384xi32, #tpu.memory_space<hbm>> -> memref<128xi32, #tpu.memory_space<hbm>>
      tpu.enqueue_dma source(%dma_start3A_203 : memref<128xi32, #tpu.memory_space<hbm>>) target(%dma_start3A_202 : memref<128xi32, #tpu.memory_space<vmem>>) target_semaphore(%run_scoped3A_195 : memref<!tpu.dma_semaphore, #tpu.memory_space<semaphore_mem>>)
      %dma_wait3A_204 = arith.constant 0 : i32
      %dma_wait3A_205 = tpu.memref_slice %arg7[%run_scoped3A, %dma_wait3A_204] : memref<4x128xi32, #tpu.memory_space<vmem>> -> memref<1x128xi32, #tpu.memory_space<vmem>>
      %dma_wait3A_206 = tpu.memref_squeeze %dma_wait3A_205 : memref<1x128xi32, #tpu.memory_space<vmem>> -> memref<128xi32, #tpu.memory_space<vmem>>
      %dma_wait3A_207 = tpu.memref_slice %arg2[%add3A_4] : memref<16384xi32, #tpu.memory_space<hbm>> -> memref<128xi32, #tpu.memory_space<hbm>>
      %dma_wait3A_208 = arith.constant 0 : i32
      %dma_wait3A_209 = tpu.memref_slice %arg7[%run_scoped3A, %dma_wait3A_208] : memref<4x128xi32, #tpu.memory_space<vmem>> -> memref<1x128xi32, #tpu.memory_space<vmem>>
      %dma_wait3A_210 = tpu.memref_squeeze %dma_wait3A_209 : memref<1x128xi32, #tpu.memory_space<vmem>> -> memref<128xi32, #tpu.memory_space<vmem>>
      %dma_wait3A_211 = tpu.memref_slice %arg2[%add3A_4] : memref<16384xi32, #tpu.memory_space<hbm>> -> memref<128xi32, #tpu.memory_space<hbm>>
      tpu.wait_dma2 semaphore(%run_scoped3A_195 : memref<!tpu.dma_semaphore, #tpu.memory_space<semaphore_mem>>) src(%dma_wait3A_211 : memref<128xi32, #tpu.memory_space<hbm>>) dst(%dma_wait3A_210 : memref<128xi32, #tpu.memory_space<vmem>>)
      tpu.yield
    }) : () -> ()
    %add3A_5 = arith.constant 0 : i32
    %add3A_6 = arith.addi %mul3A_2, %add3A_5 : i32
    %run_scoped3A_7 = arith.constant 0 : i32
    "tpu.region"() ({
      %run_scoped3A_195 = tpu.sem_alloc : memref<!tpu.dma_semaphore, #tpu.memory_space<semaphore_mem>>
      %dma_start3A_196 = arith.constant 0 : i32
      %dma_start3A_197 = tpu.memref_slice %arg8[%run_scoped3A_7, %dma_start3A_196] : memref<4x128xi32, #tpu.memory_space<vmem>> -> memref<1x128xi32, #tpu.memory_space<vmem>>
      %dma_start3A_198 = tpu.memref_squeeze %dma_start3A_197 : memref<1x128xi32, #tpu.memory_space<vmem>> -> memref<128xi32, #tpu.memory_space<vmem>>
      %dma_start3A_199 = tpu.memref_slice %arg3[%add3A_6] : memref<16384xi32, #tpu.memory_space<hbm>> -> memref<128xi32, #tpu.memory_space<hbm>>
      %dma_start3A_200 = arith.constant 0 : i32
      %dma_start3A_201 = tpu.memref_slice %arg8[%run_scoped3A_7, %dma_start3A_200] : memref<4x128xi32, #tpu.memory_space<vmem>> -> memref<1x128xi32, #tpu.memory_space<vmem>>
      %dma_start3A_202 = tpu.memref_squeeze %dma_start3A_201 : memref<1x128xi32, #tpu.memory_space<vmem>> -> memref<128xi32, #tpu.memory_space<vmem>>
      %dma_start3A_203 = tpu.memref_slice %arg3[%add3A_6] : memref<16384xi32, #tpu.memory_space<hbm>> -> memref<128xi32, #tpu.memory_space<hbm>>
      tpu.enqueue_dma source(%dma_start3A_203 : memref<128xi32, #tpu.memory_space<hbm>>) target(%dma_start3A_202 : memref<128xi32, #tpu.memory_space<vmem>>) target_semaphore(%run_scoped3A_195 : memref<!tpu.dma_semaphore, #tpu.memory_space<semaphore_mem>>)
      %dma_wait3A_204 = arith.constant 0 : i32
      %dma_wait3A_205 = tpu.memref_slice %arg8[%run_scoped3A_7, %dma_wait3A_204] : memref<4x128xi32, #tpu.memory_space<vmem>> -> memref<1x128xi32, #tpu.memory_space<vmem>>
      %dma_wait3A_206 = tpu.memref_squeeze %dma_wait3A_205 : memref<1x128xi32, #tpu.memory_space<vmem>> -> memref<128xi32, #tpu.memory_space<vmem>>
      %dma_wait3A_207 = tpu.memref_slice %arg3[%add3A_6] : memref<16384xi32, #tpu.memory_space<hbm>> -> memref<128xi32, #tpu.memory_space<hbm>>
      %dma_wait3A_208 = arith.constant 0 : i32
      %dma_wait3A_209 = tpu.memref_slice %arg8[%run_scoped3A_7, %dma_wait3A_208] : memref<4x128xi32, #tpu.memory_space<vmem>> -> memref<1x128xi32, #tpu.memory_space<vmem>>
      %dma_wait3A_210 = tpu.memref_squeeze %dma_wait3A_209 : memref<1x128xi32, #tpu.memory_space<vmem>> -> memref<128xi32, #tpu.memory_space<vmem>>
      %dma_wait3A_211 = tpu.memref_slice %arg3[%add3A_6] : memref<16384xi32, #tpu.memory_space<hbm>> -> memref<128xi32, #tpu.memory_space<hbm>>
      tpu.wait_dma2 semaphore(%run_scoped3A_195 : memref<!tpu.dma_semaphore, #tpu.memory_space<semaphore_mem>>) src(%dma_wait3A_211 : memref<128xi32, #tpu.memory_space<hbm>>) dst(%dma_wait3A_210 : memref<128xi32, #tpu.memory_space<vmem>>)
      tpu.yield
    }) : () -> ()
    %add3A_8 = arith.constant 128 : i32
    %add3A_9 = arith.addi %mul3A_2, %add3A_8 : i32
    %run_scoped3A_10 = arith.constant 1 : i32
    "tpu.region"() ({
      %run_scoped3A_195 = tpu.sem_alloc : memref<!tpu.dma_semaphore, #tpu.memory_space<semaphore_mem>>
      %dma_start3A_196 = arith.constant 0 : i32
      %dma_start3A_197 = tpu.memref_slice %arg7[%run_scoped3A_10, %dma_start3A_196] : memref<4x128xi32, #tpu.memory_space<vmem>> -> memref<1x128xi32, #tpu.memory_space<vmem>>
      %dma_start3A_198 = tpu.memref_squeeze %dma_start3A_197 : memref<1x128xi32, #tpu.memory_space<vmem>> -> memref<128xi32, #tpu.memory_space<vmem>>
      %dma_start3A_199 = tpu.memref_slice %arg2[%add3A_9] : memref<16384xi32, #tpu.memory_space<hbm>> -> memref<128xi32, #tpu.memory_space<hbm>>
      %dma_start3A_200 = arith.constant 0 : i32
      %dma_start3A_201 = tpu.memref_slice %arg7[%run_scoped3A_10, %dma_start3A_200] : memref<4x128xi32, #tpu.memory_space<vmem>> -> memref<1x128xi32, #tpu.memory_space<vmem>>
      %dma_start3A_202 = tpu.memref_squeeze %dma_start3A_201 : memref<1x128xi32, #tpu.memory_space<vmem>> -> memref<128xi32, #tpu.memory_space<vmem>>
      %dma_start3A_203 = tpu.memref_slice %arg2[%add3A_9] : memref<16384xi32, #tpu.memory_space<hbm>> -> memref<128xi32, #tpu.memory_space<hbm>>
      tpu.enqueue_dma source(%dma_start3A_203 : memref<128xi32, #tpu.memory_space<hbm>>) target(%dma_start3A_202 : memref<128xi32, #tpu.memory_space<vmem>>) target_semaphore(%run_scoped3A_195 : memref<!tpu.dma_semaphore, #tpu.memory_space<semaphore_mem>>)
      %dma_wait3A_204 = arith.constant 0 : i32
      %dma_wait3A_205 = tpu.memref_slice %arg7[%run_scoped3A_10, %dma_wait3A_204] : memref<4x128xi32, #tpu.memory_space<vmem>> -> memref<1x128xi32, #tpu.memory_space<vmem>>
      %dma_wait3A_206 = tpu.memref_squeeze %dma_wait3A_205 : memref<1x128xi32, #tpu.memory_space<vmem>> -> memref<128xi32, #tpu.memory_space<vmem>>
      %dma_wait3A_207 = tpu.memref_slice %arg2[%add3A_9] : memref<16384xi32, #tpu.memory_space<hbm>> -> memref<128xi32, #tpu.memory_space<hbm>>
      %dma_wait3A_208 = arith.constant 0 : i32
      %dma_wait3A_209 = tpu.memref_slice %arg7[%run_scoped3A_10, %dma_wait3A_208] : memref<4x128xi32, #tpu.memory_space<vmem>> -> memref<1x128xi32, #tpu.memory_space<vmem>>
      %dma_wait3A_210 = tpu.memref_squeeze %dma_wait3A_209 : memref<1x128xi32, #tpu.memory_space<vmem>> -> memref<128xi32, #tpu.memory_space<vmem>>
      %dma_wait3A_211 = tpu.memref_slice %arg2[%add3A_9] : memref<16384xi32, #tpu.memory_space<hbm>> -> memref<128xi32, #tpu.memory_space<hbm>>
      tpu.wait_dma2 semaphore(%run_scoped3A_195 : memref<!tpu.dma_semaphore, #tpu.memory_space<semaphore_mem>>) src(%dma_wait3A_211 : memref<128xi32, #tpu.memory_space<hbm>>) dst(%dma_wait3A_210 : memref<128xi32, #tpu.memory_space<vmem>>)
      tpu.yield
    }) : () -> ()
    %add3A_11 = arith.constant 128 : i32
    %add3A_12 = arith.addi %mul3A_2, %add3A_11 : i32
    %run_scoped3A_13 = arith.constant 1 : i32
    "tpu.region"() ({
      %run_scoped3A_195 = tpu.sem_alloc : memref<!tpu.dma_semaphore, #tpu.memory_space<semaphore_mem>>
      %dma_start3A_196 = arith.constant 0 : i32
      %dma_start3A_197 = tpu.memref_slice %arg8[%run_scoped3A_13, %dma_start3A_196] : memref<4x128xi32, #tpu.memory_space<vmem>> -> memref<1x128xi32, #tpu.memory_space<vmem>>
      %dma_start3A_198 = tpu.memref_squeeze %dma_start3A_197 : memref<1x128xi32, #tpu.memory_space<vmem>> -> memref<128xi32, #tpu.memory_space<vmem>>
      %dma_start3A_199 = tpu.memref_slice %arg3[%add3A_12] : memref<16384xi32, #tpu.memory_space<hbm>> -> memref<128xi32, #tpu.memory_space<hbm>>
      %dma_start3A_200 = arith.constant 0 : i32
      %dma_start3A_201 = tpu.memref_slice %arg8[%run_scoped3A_13, %dma_start3A_200] : memref<4x128xi32, #tpu.memory_space<vmem>> -> memref<1x128xi32, #tpu.memory_space<vmem>>
      %dma_start3A_202 = tpu.memref_squeeze %dma_start3A_201 : memref<1x128xi32, #tpu.memory_space<vmem>> -> memref<128xi32, #tpu.memory_space<vmem>>
      %dma_start3A_203 = tpu.memref_slice %arg3[%add3A_12] : memref<16384xi32, #tpu.memory_space<hbm>> -> memref<128xi32, #tpu.memory_space<hbm>>
      tpu.enqueue_dma source(%dma_start3A_203 : memref<128xi32, #tpu.memory_space<hbm>>) target(%dma_start3A_202 : memref<128xi32, #tpu.memory_space<vmem>>) target_semaphore(%run_scoped3A_195 : memref<!tpu.dma_semaphore, #tpu.memory_space<semaphore_mem>>)
      %dma_wait3A_204 = arith.constant 0 : i32
      %dma_wait3A_205 = tpu.memref_slice %arg8[%run_scoped3A_13, %dma_wait3A_204] : memref<4x128xi32, #tpu.memory_space<vmem>> -> memref<1x128xi32, #tpu.memory_space<vmem>>
      %dma_wait3A_206 = tpu.memref_squeeze %dma_wait3A_205 : memref<1x128xi32, #tpu.memory_space<vmem>> -> memref<128xi32, #tpu.memory_space<vmem>>
      %dma_wait3A_207 = tpu.memref_slice %arg3[%add3A_12] : memref<16384xi32, #tpu.memory_space<hbm>> -> memref<128xi32, #tpu.memory_space<hbm>>
      %dma_wait3A_208 = arith.constant 0 : i32
      %dma_wait3A_209 = tpu.memref_slice %arg8[%run_scoped3A_13, %dma_wait3A_208] : memref<4x128xi32, #tpu.memory_space<vmem>> -> memref<1x128xi32, #tpu.memory_space<vmem>>
      %dma_wait3A_210 = tpu.memref_squeeze %dma_wait3A_209 : memref<1x128xi32, #tpu.memory_space<vmem>> -> memref<128xi32, #tpu.memory_space<vmem>>
      %dma_wait3A_211 = tpu.memref_slice %arg3[%add3A_12] : memref<16384xi32, #tpu.memory_space<hbm>> -> memref<128xi32, #tpu.memory_space<hbm>>
      tpu.wait_dma2 semaphore(%run_scoped3A_195 : memref<!tpu.dma_semaphore, #tpu.memory_space<semaphore_mem>>) src(%dma_wait3A_211 : memref<128xi32, #tpu.memory_space<hbm>>) dst(%dma_wait3A_210 : memref<128xi32, #tpu.memory_space<vmem>>)
      tpu.yield
    }) : () -> ()
    %add3A_14 = arith.constant 256 : i32
    %add3A_15 = arith.addi %mul3A_2, %add3A_14 : i32
    %run_scoped3A_16 = arith.constant 2 : i32
    "tpu.region"() ({
      %run_scoped3A_195 = tpu.sem_alloc : memref<!tpu.dma_semaphore, #tpu.memory_space<semaphore_mem>>
      %dma_start3A_196 = arith.constant 0 : i32
      %dma_start3A_197 = tpu.memref_slice %arg7[%run_scoped3A_16, %dma_start3A_196] : memref<4x128xi32, #tpu.memory_space<vmem>> -> memref<1x128xi32, #tpu.memory_space<vmem>>
      %dma_start3A_198 = tpu.memref_squeeze %dma_start3A_197 : memref<1x128xi32, #tpu.memory_space<vmem>> -> memref<128xi32, #tpu.memory_space<vmem>>
      %dma_start3A_199 = tpu.memref_slice %arg2[%add3A_15] : memref<16384xi32, #tpu.memory_space<hbm>> -> memref<128xi32, #tpu.memory_space<hbm>>
      %dma_start3A_200 = arith.constant 0 : i32
      %dma_start3A_201 = tpu.memref_slice %arg7[%run_scoped3A_16, %dma_start3A_200] : memref<4x128xi32, #tpu.memory_space<vmem>> -> memref<1x128xi32, #tpu.memory_space<vmem>>
      %dma_start3A_202 = tpu.memref_squeeze %dma_start3A_201 : memref<1x128xi32, #tpu.memory_space<vmem>> -> memref<128xi32, #tpu.memory_space<vmem>>
      %dma_start3A_203 = tpu.memref_slice %arg2[%add3A_15] : memref<16384xi32, #tpu.memory_space<hbm>> -> memref<128xi32, #tpu.memory_space<hbm>>
      tpu.enqueue_dma source(%dma_start3A_203 : memref<128xi32, #tpu.memory_space<hbm>>) target(%dma_start3A_202 : memref<128xi32, #tpu.memory_space<vmem>>) target_semaphore(%run_scoped3A_195 : memref<!tpu.dma_semaphore, #tpu.memory_space<semaphore_mem>>)
      %dma_wait3A_204 = arith.constant 0 : i32
      %dma_wait3A_205 = tpu.memref_slice %arg7[%run_scoped3A_16, %dma_wait3A_204] : memref<4x128xi32, #tpu.memory_space<vmem>> -> memref<1x128xi32, #tpu.memory_space<vmem>>
      %dma_wait3A_206 = tpu.memref_squeeze %dma_wait3A_205 : memref<1x128xi32, #tpu.memory_space<vmem>> -> memref<128xi32, #tpu.memory_space<vmem>>
      %dma_wait3A_207 = tpu.memref_slice %arg2[%add3A_15] : memref<16384xi32, #tpu.memory_space<hbm>> -> memref<128xi32, #tpu.memory_space<hbm>>
      %dma_wait3A_208 = arith.constant 0 : i32
      %dma_wait3A_209 = tpu.memref_slice %arg7[%run_scoped3A_16, %dma_wait3A_208] : memref<4x128xi32, #tpu.memory_space<vmem>> -> memref<1x128xi32, #tpu.memory_space<vmem>>
      %dma_wait3A_210 = tpu.memref_squeeze %dma_wait3A_209 : memref<1x128xi32, #tpu.memory_space<vmem>> -> memref<128xi32, #tpu.memory_space<vmem>>
      %dma_wait3A_211 = tpu.memref_slice %arg2[%add3A_15] : memref<16384xi32, #tpu.memory_space<hbm>> -> memref<128xi32, #tpu.memory_space<hbm>>
      tpu.wait_dma2 semaphore(%run_scoped3A_195 : memref<!tpu.dma_semaphore, #tpu.memory_space<semaphore_mem>>) src(%dma_wait3A_211 : memref<128xi32, #tpu.memory_space<hbm>>) dst(%dma_wait3A_210 : memref<128xi32, #tpu.memory_space<vmem>>)
      tpu.yield
    }) : () -> ()
    %add3A_17 = arith.constant 256 : i32
    %add3A_18 = arith.addi %mul3A_2, %add3A_17 : i32
    %run_scoped3A_19 = arith.constant 2 : i32
    "tpu.region"() ({
      %run_scoped3A_195 = tpu.sem_alloc : memref<!tpu.dma_semaphore, #tpu.memory_space<semaphore_mem>>
      %dma_start3A_196 = arith.constant 0 : i32
      %dma_start3A_197 = tpu.memref_slice %arg8[%run_scoped3A_19, %dma_start3A_196] : memref<4x128xi32, #tpu.memory_space<vmem>> -> memref<1x128xi32, #tpu.memory_space<vmem>>
      %dma_start3A_198 = tpu.memref_squeeze %dma_start3A_197 : memref<1x128xi32, #tpu.memory_space<vmem>> -> memref<128xi32, #tpu.memory_space<vmem>>
      %dma_start3A_199 = tpu.memref_slice %arg3[%add3A_18] : memref<16384xi32, #tpu.memory_space<hbm>> -> memref<128xi32, #tpu.memory_space<hbm>>
      %dma_start3A_200 = arith.constant 0 : i32
      %dma_start3A_201 = tpu.memref_slice %arg8[%run_scoped3A_19, %dma_start3A_200] : memref<4x128xi32, #tpu.memory_space<vmem>> -> memref<1x128xi32, #tpu.memory_space<vmem>>
      %dma_start3A_202 = tpu.memref_squeeze %dma_start3A_201 : memref<1x128xi32, #tpu.memory_space<vmem>> -> memref<128xi32, #tpu.memory_space<vmem>>
      %dma_start3A_203 = tpu.memref_slice %arg3[%add3A_18] : memref<16384xi32, #tpu.memory_space<hbm>> -> memref<128xi32, #tpu.memory_space<hbm>>
      tpu.enqueue_dma source(%dma_start3A_203 : memref<128xi32, #tpu.memory_space<hbm>>) target(%dma_start3A_202 : memref<128xi32, #tpu.memory_space<vmem>>) target_semaphore(%run_scoped3A_195 : memref<!tpu.dma_semaphore, #tpu.memory_space<semaphore_mem>>)
      %dma_wait3A_204 = arith.constant 0 : i32
      %dma_wait3A_205 = tpu.memref_slice %arg8[%run_scoped3A_19, %dma_wait3A_204] : memref<4x128xi32, #tpu.memory_space<vmem>> -> memref<1x128xi32, #tpu.memory_space<vmem>>
      %dma_wait3A_206 = tpu.memref_squeeze %dma_wait3A_205 : memref<1x128xi32, #tpu.memory_space<vmem>> -> memref<128xi32, #tpu.memory_space<vmem>>
      %dma_wait3A_207 = tpu.memref_slice %arg3[%add3A_18] : memref<16384xi32, #tpu.memory_space<hbm>> -> memref<128xi32, #tpu.memory_space<hbm>>
      %dma_wait3A_208 = arith.constant 0 : i32
      %dma_wait3A_209 = tpu.memref_slice %arg8[%run_scoped3A_19, %dma_wait3A_208] : memref<4x128xi32, #tpu.memory_space<vmem>> -> memref<1x128xi32, #tpu.memory_space<vmem>>
      %dma_wait3A_210 = tpu.memref_squeeze %dma_wait3A_209 : memref<1x128xi32, #tpu.memory_space<vmem>> -> memref<128xi32, #tpu.memory_space<vmem>>
      %dma_wait3A_211 = tpu.memref_slice %arg3[%add3A_18] : memref<16384xi32, #tpu.memory_space<hbm>> -> memref<128xi32, #tpu.memory_space<hbm>>
      tpu.wait_dma2 semaphore(%run_scoped3A_195 : memref<!tpu.dma_semaphore, #tpu.memory_space<semaphore_mem>>) src(%dma_wait3A_211 : memref<128xi32, #tpu.memory_space<hbm>>) dst(%dma_wait3A_210 : memref<128xi32, #tpu.memory_space<vmem>>)
      tpu.yield
    }) : () -> ()
    %add3A_20 = arith.constant 384 : i32
    %add3A_21 = arith.addi %mul3A_2, %add3A_20 : i32
    %run_scoped3A_22 = arith.constant 3 : i32
    "tpu.region"() ({
      %run_scoped3A_195 = tpu.sem_alloc : memref<!tpu.dma_semaphore, #tpu.memory_space<semaphore_mem>>
      %dma_start3A_196 = arith.constant 0 : i32
      %dma_start3A_197 = tpu.memref_slice %arg7[%run_scoped3A_22, %dma_start3A_196] : memref<4x128xi32, #tpu.memory_space<vmem>> -> memref<1x128xi32, #tpu.memory_space<vmem>>
      %dma_start3A_198 = tpu.memref_squeeze %dma_start3A_197 : memref<1x128xi32, #tpu.memory_space<vmem>> -> memref<128xi32, #tpu.memory_space<vmem>>
      %dma_start3A_199 = tpu.memref_slice %arg2[%add3A_21] : memref<16384xi32, #tpu.memory_space<hbm>> -> memref<128xi32, #tpu.memory_space<hbm>>
      %dma_start3A_200 = arith.constant 0 : i32
      %dma_start3A_201 = tpu.memref_slice %arg7[%run_scoped3A_22, %dma_start3A_200] : memref<4x128xi32, #tpu.memory_space<vmem>> -> memref<1x128xi32, #tpu.memory_space<vmem>>
      %dma_start3A_202 = tpu.memref_squeeze %dma_start3A_201 : memref<1x128xi32, #tpu.memory_space<vmem>> -> memref<128xi32, #tpu.memory_space<vmem>>
      %dma_start3A_203 = tpu.memref_slice %arg2[%add3A_21] : memref<16384xi32, #tpu.memory_space<hbm>> -> memref<128xi32, #tpu.memory_space<hbm>>
      tpu.enqueue_dma source(%dma_start3A_203 : memref<128xi32, #tpu.memory_space<hbm>>) target(%dma_start3A_202 : memref<128xi32, #tpu.memory_space<vmem>>) target_semaphore(%run_scoped3A_195 : memref<!tpu.dma_semaphore, #tpu.memory_space<semaphore_mem>>)
      %dma_wait3A_204 = arith.constant 0 : i32
      %dma_wait3A_205 = tpu.memref_slice %arg7[%run_scoped3A_22, %dma_wait3A_204] : memref<4x128xi32, #tpu.memory_space<vmem>> -> memref<1x128xi32, #tpu.memory_space<vmem>>
      %dma_wait3A_206 = tpu.memref_squeeze %dma_wait3A_205 : memref<1x128xi32, #tpu.memory_space<vmem>> -> memref<128xi32, #tpu.memory_space<vmem>>
      %dma_wait3A_207 = tpu.memref_slice %arg2[%add3A_21] : memref<16384xi32, #tpu.memory_space<hbm>> -> memref<128xi32, #tpu.memory_space<hbm>>
      %dma_wait3A_208 = arith.constant 0 : i32
      %dma_wait3A_209 = tpu.memref_slice %arg7[%run_scoped3A_22, %dma_wait3A_208] : memref<4x128xi32, #tpu.memory_space<vmem>> -> memref<1x128xi32, #tpu.memory_space<vmem>>
      %dma_wait3A_210 = tpu.memref_squeeze %dma_wait3A_209 : memref<1x128xi32, #tpu.memory_space<vmem>> -> memref<128xi32, #tpu.memory_space<vmem>>
      %dma_wait3A_211 = tpu.memref_slice %arg2[%add3A_21] : memref<16384xi32, #tpu.memory_space<hbm>> -> memref<128xi32, #tpu.memory_space<hbm>>
      tpu.wait_dma2 semaphore(%run_scoped3A_195 : memref<!tpu.dma_semaphore, #tpu.memory_space<semaphore_mem>>) src(%dma_wait3A_211 : memref<128xi32, #tpu.memory_space<hbm>>) dst(%dma_wait3A_210 : memref<128xi32, #tpu.memory_space<vmem>>)
      tpu.yield
    }) : () -> ()
    %add3A_23 = arith.constant 384 : i32
    %add3A_24 = arith.addi %mul3A_2, %add3A_23 : i32
    %run_scoped3A_25 = arith.constant 3 : i32
    "tpu.region"() ({
      %run_scoped3A_195 = tpu.sem_alloc : memref<!tpu.dma_semaphore, #tpu.memory_space<semaphore_mem>>
      %dma_start3A_196 = arith.constant 0 : i32
      %dma_start3A_197 = tpu.memref_slice %arg8[%run_scoped3A_25, %dma_start3A_196] : memref<4x128xi32, #tpu.memory_space<vmem>> -> memref<1x128xi32, #tpu.memory_space<vmem>>
      %dma_start3A_198 = tpu.memref_squeeze %dma_start3A_197 : memref<1x128xi32, #tpu.memory_space<vmem>> -> memref<128xi32, #tpu.memory_space<vmem>>
      %dma_start3A_199 = tpu.memref_slice %arg3[%add3A_24] : memref<16384xi32, #tpu.memory_space<hbm>> -> memref<128xi32, #tpu.memory_space<hbm>>
      %dma_start3A_200 = arith.constant 0 : i32
      %dma_start3A_201 = tpu.memref_slice %arg8[%run_scoped3A_25, %dma_start3A_200] : memref<4x128xi32, #tpu.memory_space<vmem>> -> memref<1x128xi32, #tpu.memory_space<vmem>>
      %dma_start3A_202 = tpu.memref_squeeze %dma_start3A_201 : memref<1x128xi32, #tpu.memory_space<vmem>> -> memref<128xi32, #tpu.memory_space<vmem>>
      %dma_start3A_203 = tpu.memref_slice %arg3[%add3A_24] : memref<16384xi32, #tpu.memory_space<hbm>> -> memref<128xi32, #tpu.memory_space<hbm>>
      tpu.enqueue_dma source(%dma_start3A_203 : memref<128xi32, #tpu.memory_space<hbm>>) target(%dma_start3A_202 : memref<128xi32, #tpu.memory_space<vmem>>) target_semaphore(%run_scoped3A_195 : memref<!tpu.dma_semaphore, #tpu.memory_space<semaphore_mem>>)
      %dma_wait3A_204 = arith.constant 0 : i32
      %dma_wait3A_205 = tpu.memref_slice %arg8[%run_scoped3A_25, %dma_wait3A_204] : memref<4x128xi32, #tpu.memory_space<vmem>> -> memref<1x128xi32, #tpu.memory_space<vmem>>
      %dma_wait3A_206 = tpu.memref_squeeze %dma_wait3A_205 : memref<1x128xi32, #tpu.memory_space<vmem>> -> memref<128xi32, #tpu.memory_space<vmem>>
      %dma_wait3A_207 = tpu.memref_slice %arg3[%add3A_24] : memref<16384xi32, #tpu.memory_space<hbm>> -> memref<128xi32, #tpu.memory_space<hbm>>
      %dma_wait3A_208 = arith.constant 0 : i32
      %dma_wait3A_209 = tpu.memref_slice %arg8[%run_scoped3A_25, %dma_wait3A_208] : memref<4x128xi32, #tpu.memory_space<vmem>> -> memref<1x128xi32, #tpu.memory_space<vmem>>
      %dma_wait3A_210 = tpu.memref_squeeze %dma_wait3A_209 : memref<1x128xi32, #tpu.memory_space<vmem>> -> memref<128xi32, #tpu.memory_space<vmem>>
      %dma_wait3A_211 = tpu.memref_slice %arg3[%add3A_24] : memref<16384xi32, #tpu.memory_space<hbm>> -> memref<128xi32, #tpu.memory_space<hbm>>
      tpu.wait_dma2 semaphore(%run_scoped3A_195 : memref<!tpu.dma_semaphore, #tpu.memory_space<semaphore_mem>>) src(%dma_wait3A_211 : memref<128xi32, #tpu.memory_space<hbm>>) dst(%dma_wait3A_210 : memref<128xi32, #tpu.memory_space<vmem>>)
      tpu.yield
    }) : () -> ()
    %dma_start3A = arith.constant 0 : i32
    %dma_start3A_26 = arith.constant 0 : i32
    %dma_start3A_27 = arith.constant 0 : i32
    %dma_start3A_28 = tpu.memref_slice %arg9[%dma_start3A_26, %dma_start3A_27] : memref<512x64xf32, #tpu.memory_space<vmem>> -> memref<128x64xf32, #tpu.memory_space<vmem>>
    %dma_start3A_29 = arith.constant 0 : i32
    %dma_start3A_30 = tpu.memref_slice %arg7[%dma_start3A, %dma_start3A_29] : memref<4x128xi32, #tpu.memory_space<vmem>> -> memref<1x128xi32, #tpu.memory_space<vmem>>
    %dma_start3A_31 = tpu.memref_squeeze %dma_start3A_30 : memref<1x128xi32, #tpu.memory_space<vmem>> -> memref<128xi32, #tpu.memory_space<vmem>>
    %dma_start3A_32 = arith.constant 0 : i32
    %dma_start3A_33 = arith.constant 0 : i32
    %dma_start3A_34 = tpu.memref_slice %arg4[%dma_start3A_32, %dma_start3A_33] : memref<1000000x64xf32, #tpu.memory_space<hbm>> -> memref<1000000x64xf32, #tpu.memory_space<hbm>>
    tpu.enqueue_indirect_dma source(%dma_start3A_34 : memref<1000000x64xf32, #tpu.memory_space<hbm>>) target(%dma_start3A_28 : memref<128x64xf32, #tpu.memory_space<vmem>>) offsets(%dma_start3A_31 : memref<128xi32, #tpu.memory_space<vmem>>) semaphore(%arg13 : memref<!tpu.dma_semaphore, #tpu.memory_space<semaphore_mem>>)
    %dma_start3A_35 = arith.constant 0 : i32
    %dma_start3A_36 = arith.constant 0 : i32
    %dma_start3A_37 = arith.constant 0 : i32
    %dma_start3A_38 = tpu.memref_slice %arg10[%dma_start3A_36, %dma_start3A_37] : memref<512x64xf32, #tpu.memory_space<vmem>> -> memref<128x64xf32, #tpu.memory_space<vmem>>
    %dma_start3A_39 = arith.constant 0 : i32
    %dma_start3A_40 = tpu.memref_slice %arg8[%dma_start3A_35, %dma_start3A_39] : memref<4x128xi32, #tpu.memory_space<vmem>> -> memref<1x128xi32, #tpu.memory_space<vmem>>
    %dma_start3A_41 = tpu.memref_squeeze %dma_start3A_40 : memref<1x128xi32, #tpu.memory_space<vmem>> -> memref<128xi32, #tpu.memory_space<vmem>>
    %dma_start3A_42 = arith.constant 0 : i32
    %dma_start3A_43 = arith.constant 0 : i32
    %dma_start3A_44 = tpu.memref_slice %arg5[%dma_start3A_42, %dma_start3A_43] : memref<1000000x64xf32, #tpu.memory_space<hbm>> -> memref<1000000x64xf32, #tpu.memory_space<hbm>>
    tpu.enqueue_indirect_dma source(%dma_start3A_44 : memref<1000000x64xf32, #tpu.memory_space<hbm>>) target(%dma_start3A_38 : memref<128x64xf32, #tpu.memory_space<vmem>>) offsets(%dma_start3A_41 : memref<128xi32, #tpu.memory_space<vmem>>) semaphore(%arg13 : memref<!tpu.dma_semaphore, #tpu.memory_space<semaphore_mem>>)
    %dma_start3A_45 = arith.constant 1 : i32
    %dma_start3A_46 = arith.constant 128 : i32
    %dma_start3A_47 = arith.constant 0 : i32
    %dma_start3A_48 = tpu.memref_slice %arg9[%dma_start3A_46, %dma_start3A_47] : memref<512x64xf32, #tpu.memory_space<vmem>> -> memref<128x64xf32, #tpu.memory_space<vmem>>
    %dma_start3A_49 = arith.constant 0 : i32
    %dma_start3A_50 = tpu.memref_slice %arg7[%dma_start3A_45, %dma_start3A_49] : memref<4x128xi32, #tpu.memory_space<vmem>> -> memref<1x128xi32, #tpu.memory_space<vmem>>
    %dma_start3A_51 = tpu.memref_squeeze %dma_start3A_50 : memref<1x128xi32, #tpu.memory_space<vmem>> -> memref<128xi32, #tpu.memory_space<vmem>>
    %dma_start3A_52 = arith.constant 0 : i32
    %dma_start3A_53 = arith.constant 0 : i32
    %dma_start3A_54 = tpu.memref_slice %arg4[%dma_start3A_52, %dma_start3A_53] : memref<1000000x64xf32, #tpu.memory_space<hbm>> -> memref<1000000x64xf32, #tpu.memory_space<hbm>>
    tpu.enqueue_indirect_dma source(%dma_start3A_54 : memref<1000000x64xf32, #tpu.memory_space<hbm>>) target(%dma_start3A_48 : memref<128x64xf32, #tpu.memory_space<vmem>>) offsets(%dma_start3A_51 : memref<128xi32, #tpu.memory_space<vmem>>) semaphore(%arg13 : memref<!tpu.dma_semaphore, #tpu.memory_space<semaphore_mem>>)
    %dma_start3A_55 = arith.constant 1 : i32
    %dma_start3A_56 = arith.constant 128 : i32
    %dma_start3A_57 = arith.constant 0 : i32
    %dma_start3A_58 = tpu.memref_slice %arg10[%dma_start3A_56, %dma_start3A_57] : memref<512x64xf32, #tpu.memory_space<vmem>> -> memref<128x64xf32, #tpu.memory_space<vmem>>
    %dma_start3A_59 = arith.constant 0 : i32
    %dma_start3A_60 = tpu.memref_slice %arg8[%dma_start3A_55, %dma_start3A_59] : memref<4x128xi32, #tpu.memory_space<vmem>> -> memref<1x128xi32, #tpu.memory_space<vmem>>
    %dma_start3A_61 = tpu.memref_squeeze %dma_start3A_60 : memref<1x128xi32, #tpu.memory_space<vmem>> -> memref<128xi32, #tpu.memory_space<vmem>>
    %dma_start3A_62 = arith.constant 0 : i32
    %dma_start3A_63 = arith.constant 0 : i32
    %dma_start3A_64 = tpu.memref_slice %arg5[%dma_start3A_62, %dma_start3A_63] : memref<1000000x64xf32, #tpu.memory_space<hbm>> -> memref<1000000x64xf32, #tpu.memory_space<hbm>>
    tpu.enqueue_indirect_dma source(%dma_start3A_64 : memref<1000000x64xf32, #tpu.memory_space<hbm>>) target(%dma_start3A_58 : memref<128x64xf32, #tpu.memory_space<vmem>>) offsets(%dma_start3A_61 : memref<128xi32, #tpu.memory_space<vmem>>) semaphore(%arg13 : memref<!tpu.dma_semaphore, #tpu.memory_space<semaphore_mem>>)
    %dma_start3A_65 = arith.constant 2 : i32
    %dma_start3A_66 = arith.constant 256 : i32
    %dma_start3A_67 = arith.constant 0 : i32
    %dma_start3A_68 = tpu.memref_slice %arg9[%dma_start3A_66, %dma_start3A_67] : memref<512x64xf32, #tpu.memory_space<vmem>> -> memref<128x64xf32, #tpu.memory_space<vmem>>
    %dma_start3A_69 = arith.constant 0 : i32
    %dma_start3A_70 = tpu.memref_slice %arg7[%dma_start3A_65, %dma_start3A_69] : memref<4x128xi32, #tpu.memory_space<vmem>> -> memref<1x128xi32, #tpu.memory_space<vmem>>
    %dma_start3A_71 = tpu.memref_squeeze %dma_start3A_70 : memref<1x128xi32, #tpu.memory_space<vmem>> -> memref<128xi32, #tpu.memory_space<vmem>>
    %dma_start3A_72 = arith.constant 0 : i32
    %dma_start3A_73 = arith.constant 0 : i32
    %dma_start3A_74 = tpu.memref_slice %arg4[%dma_start3A_72, %dma_start3A_73] : memref<1000000x64xf32, #tpu.memory_space<hbm>> -> memref<1000000x64xf32, #tpu.memory_space<hbm>>
    tpu.enqueue_indirect_dma source(%dma_start3A_74 : memref<1000000x64xf32, #tpu.memory_space<hbm>>) target(%dma_start3A_68 : memref<128x64xf32, #tpu.memory_space<vmem>>) offsets(%dma_start3A_71 : memref<128xi32, #tpu.memory_space<vmem>>) semaphore(%arg13 : memref<!tpu.dma_semaphore, #tpu.memory_space<semaphore_mem>>)
    %dma_start3A_75 = arith.constant 2 : i32
    %dma_start3A_76 = arith.constant 256 : i32
    %dma_start3A_77 = arith.constant 0 : i32
    %dma_start3A_78 = tpu.memref_slice %arg10[%dma_start3A_76, %dma_start3A_77] : memref<512x64xf32, #tpu.memory_space<vmem>> -> memref<128x64xf32, #tpu.memory_space<vmem>>
    %dma_start3A_79 = arith.constant 0 : i32
    %dma_start3A_80 = tpu.memref_slice %arg8[%dma_start3A_75, %dma_start3A_79] : memref<4x128xi32, #tpu.memory_space<vmem>> -> memref<1x128xi32, #tpu.memory_space<vmem>>
    %dma_start3A_81 = tpu.memref_squeeze %dma_start3A_80 : memref<1x128xi32, #tpu.memory_space<vmem>> -> memref<128xi32, #tpu.memory_space<vmem>>
    %dma_start3A_82 = arith.constant 0 : i32
    %dma_start3A_83 = arith.constant 0 : i32
    %dma_start3A_84 = tpu.memref_slice %arg5[%dma_start3A_82, %dma_start3A_83] : memref<1000000x64xf32, #tpu.memory_space<hbm>> -> memref<1000000x64xf32, #tpu.memory_space<hbm>>
    tpu.enqueue_indirect_dma source(%dma_start3A_84 : memref<1000000x64xf32, #tpu.memory_space<hbm>>) target(%dma_start3A_78 : memref<128x64xf32, #tpu.memory_space<vmem>>) offsets(%dma_start3A_81 : memref<128xi32, #tpu.memory_space<vmem>>) semaphore(%arg13 : memref<!tpu.dma_semaphore, #tpu.memory_space<semaphore_mem>>)
    %dma_start3A_85 = arith.constant 3 : i32
    %dma_start3A_86 = arith.constant 384 : i32
    %dma_start3A_87 = arith.constant 0 : i32
    %dma_start3A_88 = tpu.memref_slice %arg9[%dma_start3A_86, %dma_start3A_87] : memref<512x64xf32, #tpu.memory_space<vmem>> -> memref<128x64xf32, #tpu.memory_space<vmem>>
    %dma_start3A_89 = arith.constant 0 : i32
    %dma_start3A_90 = tpu.memref_slice %arg7[%dma_start3A_85, %dma_start3A_89] : memref<4x128xi32, #tpu.memory_space<vmem>> -> memref<1x128xi32, #tpu.memory_space<vmem>>
    %dma_start3A_91 = tpu.memref_squeeze %dma_start3A_90 : memref<1x128xi32, #tpu.memory_space<vmem>> -> memref<128xi32, #tpu.memory_space<vmem>>
    %dma_start3A_92 = arith.constant 0 : i32
    %dma_start3A_93 = arith.constant 0 : i32
    %dma_start3A_94 = tpu.memref_slice %arg4[%dma_start3A_92, %dma_start3A_93] : memref<1000000x64xf32, #tpu.memory_space<hbm>> -> memref<1000000x64xf32, #tpu.memory_space<hbm>>
    tpu.enqueue_indirect_dma source(%dma_start3A_94 : memref<1000000x64xf32, #tpu.memory_space<hbm>>) target(%dma_start3A_88 : memref<128x64xf32, #tpu.memory_space<vmem>>) offsets(%dma_start3A_91 : memref<128xi32, #tpu.memory_space<vmem>>) semaphore(%arg13 : memref<!tpu.dma_semaphore, #tpu.memory_space<semaphore_mem>>)
    %dma_start3A_95 = arith.constant 3 : i32
    %dma_start3A_96 = arith.constant 384 : i32
    %dma_start3A_97 = arith.constant 0 : i32
    %dma_start3A_98 = tpu.memref_slice %arg10[%dma_start3A_96, %dma_start3A_97] : memref<512x64xf32, #tpu.memory_space<vmem>> -> memref<128x64xf32, #tpu.memory_space<vmem>>
    %dma_start3A_99 = arith.constant 0 : i32
    %dma_start3A_100 = tpu.memref_slice %arg8[%dma_start3A_95, %dma_start3A_99] : memref<4x128xi32, #tpu.memory_space<vmem>> -> memref<1x128xi32, #tpu.memory_space<vmem>>
    %dma_start3A_101 = tpu.memref_squeeze %dma_start3A_100 : memref<1x128xi32, #tpu.memory_space<vmem>> -> memref<128xi32, #tpu.memory_space<vmem>>
    %dma_start3A_102 = arith.constant 0 : i32
    %dma_start3A_103 = arith.constant 0 : i32
    %dma_start3A_104 = tpu.memref_slice %arg5[%dma_start3A_102, %dma_start3A_103] : memref<1000000x64xf32, #tpu.memory_space<hbm>> -> memref<1000000x64xf32, #tpu.memory_space<hbm>>
    tpu.enqueue_indirect_dma source(%dma_start3A_104 : memref<1000000x64xf32, #tpu.memory_space<hbm>>) target(%dma_start3A_98 : memref<128x64xf32, #tpu.memory_space<vmem>>) offsets(%dma_start3A_101 : memref<128xi32, #tpu.memory_space<vmem>>) semaphore(%arg13 : memref<!tpu.dma_semaphore, #tpu.memory_space<semaphore_mem>>)
    %dma_wait3A = arith.constant 0 : i32
    %dma_wait3A_105 = arith.constant 0 : i32
    %dma_wait3A_106 = arith.constant 0 : i32
    %dma_wait3A_107 = tpu.memref_slice %arg9[%dma_wait3A_105, %dma_wait3A_106] : memref<512x64xf32, #tpu.memory_space<vmem>> -> memref<128x64xf32, #tpu.memory_space<vmem>>
    %dma_wait3A_108 = arith.constant 0 : i32
    %dma_wait3A_109 = tpu.memref_slice %arg7[%dma_wait3A, %dma_wait3A_108] : memref<4x128xi32, #tpu.memory_space<vmem>> -> memref<1x128xi32, #tpu.memory_space<vmem>>
    %dma_wait3A_110 = tpu.memref_squeeze %dma_wait3A_109 : memref<1x128xi32, #tpu.memory_space<vmem>> -> memref<128xi32, #tpu.memory_space<vmem>>
    %dma_wait3A_111 = arith.constant 0 : i32
    %dma_wait3A_112 = arith.constant 0 : i32
    %dma_wait3A_113 = tpu.memref_slice %arg4[%dma_wait3A_111, %dma_wait3A_112] : memref<1000000x64xf32, #tpu.memory_space<hbm>> -> memref<1000000x64xf32, #tpu.memory_space<hbm>>
    tpu.wait_indirect_dma semaphore(%arg13 : memref<!tpu.dma_semaphore, #tpu.memory_space<semaphore_mem>>) src(%dma_wait3A_113 : memref<1000000x64xf32, #tpu.memory_space<hbm>>) dst(%dma_wait3A_107 : memref<128x64xf32, #tpu.memory_space<vmem>>)
    %dma_wait3A_114 = arith.constant 0 : i32
    %dma_wait3A_115 = arith.constant 0 : i32
    %dma_wait3A_116 = arith.constant 0 : i32
    %dma_wait3A_117 = tpu.memref_slice %arg10[%dma_wait3A_115, %dma_wait3A_116] : memref<512x64xf32, #tpu.memory_space<vmem>> -> memref<128x64xf32, #tpu.memory_space<vmem>>
    %dma_wait3A_118 = arith.constant 0 : i32
    %dma_wait3A_119 = tpu.memref_slice %arg8[%dma_wait3A_114, %dma_wait3A_118] : memref<4x128xi32, #tpu.memory_space<vmem>> -> memref<1x128xi32, #tpu.memory_space<vmem>>
    %dma_wait3A_120 = tpu.memref_squeeze %dma_wait3A_119 : memref<1x128xi32, #tpu.memory_space<vmem>> -> memref<128xi32, #tpu.memory_space<vmem>>
    %dma_wait3A_121 = arith.constant 0 : i32
    %dma_wait3A_122 = arith.constant 0 : i32
    %dma_wait3A_123 = tpu.memref_slice %arg5[%dma_wait3A_121, %dma_wait3A_122] : memref<1000000x64xf32, #tpu.memory_space<hbm>> -> memref<1000000x64xf32, #tpu.memory_space<hbm>>
    tpu.wait_indirect_dma semaphore(%arg13 : memref<!tpu.dma_semaphore, #tpu.memory_space<semaphore_mem>>) src(%dma_wait3A_123 : memref<1000000x64xf32, #tpu.memory_space<hbm>>) dst(%dma_wait3A_117 : memref<128x64xf32, #tpu.memory_space<vmem>>)
    %dma_wait3A_124 = arith.constant 1 : i32
    %dma_wait3A_125 = arith.constant 128 : i32
    %dma_wait3A_126 = arith.constant 0 : i32
    %dma_wait3A_127 = tpu.memref_slice %arg9[%dma_wait3A_125, %dma_wait3A_126] : memref<512x64xf32, #tpu.memory_space<vmem>> -> memref<128x64xf32, #tpu.memory_space<vmem>>
    %dma_wait3A_128 = arith.constant 0 : i32
    %dma_wait3A_129 = tpu.memref_slice %arg7[%dma_wait3A_124, %dma_wait3A_128] : memref<4x128xi32, #tpu.memory_space<vmem>> -> memref<1x128xi32, #tpu.memory_space<vmem>>
    %dma_wait3A_130 = tpu.memref_squeeze %dma_wait3A_129 : memref<1x128xi32, #tpu.memory_space<vmem>> -> memref<128xi32, #tpu.memory_space<vmem>>
    %dma_wait3A_131 = arith.constant 0 : i32
    %dma_wait3A_132 = arith.constant 0 : i32
    %dma_wait3A_133 = tpu.memref_slice %arg4[%dma_wait3A_131, %dma_wait3A_132] : memref<1000000x64xf32, #tpu.memory_space<hbm>> -> memref<1000000x64xf32, #tpu.memory_space<hbm>>
    tpu.wait_indirect_dma semaphore(%arg13 : memref<!tpu.dma_semaphore, #tpu.memory_space<semaphore_mem>>) src(%dma_wait3A_133 : memref<1000000x64xf32, #tpu.memory_space<hbm>>) dst(%dma_wait3A_127 : memref<128x64xf32, #tpu.memory_space<vmem>>)
    %dma_wait3A_134 = arith.constant 1 : i32
    %dma_wait3A_135 = arith.constant 128 : i32
    %dma_wait3A_136 = arith.constant 0 : i32
    %dma_wait3A_137 = tpu.memref_slice %arg10[%dma_wait3A_135, %dma_wait3A_136] : memref<512x64xf32, #tpu.memory_space<vmem>> -> memref<128x64xf32, #tpu.memory_space<vmem>>
    %dma_wait3A_138 = arith.constant 0 : i32
    %dma_wait3A_139 = tpu.memref_slice %arg8[%dma_wait3A_134, %dma_wait3A_138] : memref<4x128xi32, #tpu.memory_space<vmem>> -> memref<1x128xi32, #tpu.memory_space<vmem>>
    %dma_wait3A_140 = tpu.memref_squeeze %dma_wait3A_139 : memref<1x128xi32, #tpu.memory_space<vmem>> -> memref<128xi32, #tpu.memory_space<vmem>>
    %dma_wait3A_141 = arith.constant 0 : i32
    %dma_wait3A_142 = arith.constant 0 : i32
    %dma_wait3A_143 = tpu.memref_slice %arg5[%dma_wait3A_141, %dma_wait3A_142] : memref<1000000x64xf32, #tpu.memory_space<hbm>> -> memref<1000000x64xf32, #tpu.memory_space<hbm>>
    tpu.wait_indirect_dma semaphore(%arg13 : memref<!tpu.dma_semaphore, #tpu.memory_space<semaphore_mem>>) src(%dma_wait3A_143 : memref<1000000x64xf32, #tpu.memory_space<hbm>>) dst(%dma_wait3A_137 : memref<128x64xf32, #tpu.memory_space<vmem>>)
    %dma_wait3A_144 = arith.constant 2 : i32
    %dma_wait3A_145 = arith.constant 256 : i32
    %dma_wait3A_146 = arith.constant 0 : i32
    %dma_wait3A_147 = tpu.memref_slice %arg9[%dma_wait3A_145, %dma_wait3A_146] : memref<512x64xf32, #tpu.memory_space<vmem>> -> memref<128x64xf32, #tpu.memory_space<vmem>>
    %dma_wait3A_148 = arith.constant 0 : i32
    %dma_wait3A_149 = tpu.memref_slice %arg7[%dma_wait3A_144, %dma_wait3A_148] : memref<4x128xi32, #tpu.memory_space<vmem>> -> memref<1x128xi32, #tpu.memory_space<vmem>>
    %dma_wait3A_150 = tpu.memref_squeeze %dma_wait3A_149 : memref<1x128xi32, #tpu.memory_space<vmem>> -> memref<128xi32, #tpu.memory_space<vmem>>
    %dma_wait3A_151 = arith.constant 0 : i32
    %dma_wait3A_152 = arith.constant 0 : i32
    %dma_wait3A_153 = tpu.memref_slice %arg4[%dma_wait3A_151, %dma_wait3A_152] : memref<1000000x64xf32, #tpu.memory_space<hbm>> -> memref<1000000x64xf32, #tpu.memory_space<hbm>>
    tpu.wait_indirect_dma semaphore(%arg13 : memref<!tpu.dma_semaphore, #tpu.memory_space<semaphore_mem>>) src(%dma_wait3A_153 : memref<1000000x64xf32, #tpu.memory_space<hbm>>) dst(%dma_wait3A_147 : memref<128x64xf32, #tpu.memory_space<vmem>>)
    %dma_wait3A_154 = arith.constant 2 : i32
    %dma_wait3A_155 = arith.constant 256 : i32
    %dma_wait3A_156 = arith.constant 0 : i32
    %dma_wait3A_157 = tpu.memref_slice %arg10[%dma_wait3A_155, %dma_wait3A_156] : memref<512x64xf32, #tpu.memory_space<vmem>> -> memref<128x64xf32, #tpu.memory_space<vmem>>
    %dma_wait3A_158 = arith.constant 0 : i32
    %dma_wait3A_159 = tpu.memref_slice %arg8[%dma_wait3A_154, %dma_wait3A_158] : memref<4x128xi32, #tpu.memory_space<vmem>> -> memref<1x128xi32, #tpu.memory_space<vmem>>
    %dma_wait3A_160 = tpu.memref_squeeze %dma_wait3A_159 : memref<1x128xi32, #tpu.memory_space<vmem>> -> memref<128xi32, #tpu.memory_space<vmem>>
    %dma_wait3A_161 = arith.constant 0 : i32
    %dma_wait3A_162 = arith.constant 0 : i32
    %dma_wait3A_163 = tpu.memref_slice %arg5[%dma_wait3A_161, %dma_wait3A_162] : memref<1000000x64xf32, #tpu.memory_space<hbm>> -> memref<1000000x64xf32, #tpu.memory_space<hbm>>
    tpu.wait_indirect_dma semaphore(%arg13 : memref<!tpu.dma_semaphore, #tpu.memory_space<semaphore_mem>>) src(%dma_wait3A_163 : memref<1000000x64xf32, #tpu.memory_space<hbm>>) dst(%dma_wait3A_157 : memref<128x64xf32, #tpu.memory_space<vmem>>)
    %dma_wait3A_164 = arith.constant 3 : i32
    %dma_wait3A_165 = arith.constant 384 : i32
    %dma_wait3A_166 = arith.constant 0 : i32
    %dma_wait3A_167 = tpu.memref_slice %arg9[%dma_wait3A_165, %dma_wait3A_166] : memref<512x64xf32, #tpu.memory_space<vmem>> -> memref<128x64xf32, #tpu.memory_space<vmem>>
    %dma_wait3A_168 = arith.constant 0 : i32
    %dma_wait3A_169 = tpu.memref_slice %arg7[%dma_wait3A_164, %dma_wait3A_168] : memref<4x128xi32, #tpu.memory_space<vmem>> -> memref<1x128xi32, #tpu.memory_space<vmem>>
    %dma_wait3A_170 = tpu.memref_squeeze %dma_wait3A_169 : memref<1x128xi32, #tpu.memory_space<vmem>> -> memref<128xi32, #tpu.memory_space<vmem>>
    %dma_wait3A_171 = arith.constant 0 : i32
    %dma_wait3A_172 = arith.constant 0 : i32
    %dma_wait3A_173 = tpu.memref_slice %arg4[%dma_wait3A_171, %dma_wait3A_172] : memref<1000000x64xf32, #tpu.memory_space<hbm>> -> memref<1000000x64xf32, #tpu.memory_space<hbm>>
    tpu.wait_indirect_dma semaphore(%arg13 : memref<!tpu.dma_semaphore, #tpu.memory_space<semaphore_mem>>) src(%dma_wait3A_173 : memref<1000000x64xf32, #tpu.memory_space<hbm>>) dst(%dma_wait3A_167 : memref<128x64xf32, #tpu.memory_space<vmem>>)
    %dma_wait3A_174 = arith.constant 3 : i32
    %dma_wait3A_175 = arith.constant 384 : i32
    %dma_wait3A_176 = arith.constant 0 : i32
    %dma_wait3A_177 = tpu.memref_slice %arg10[%dma_wait3A_175, %dma_wait3A_176] : memref<512x64xf32, #tpu.memory_space<vmem>> -> memref<128x64xf32, #tpu.memory_space<vmem>>
    %dma_wait3A_178 = arith.constant 0 : i32
    %dma_wait3A_179 = tpu.memref_slice %arg8[%dma_wait3A_174, %dma_wait3A_178] : memref<4x128xi32, #tpu.memory_space<vmem>> -> memref<1x128xi32, #tpu.memory_space<vmem>>
    %dma_wait3A_180 = tpu.memref_squeeze %dma_wait3A_179 : memref<1x128xi32, #tpu.memory_space<vmem>> -> memref<128xi32, #tpu.memory_space<vmem>>
    %dma_wait3A_181 = arith.constant 0 : i32
    %dma_wait3A_182 = arith.constant 0 : i32
    %dma_wait3A_183 = tpu.memref_slice %arg5[%dma_wait3A_181, %dma_wait3A_182] : memref<1000000x64xf32, #tpu.memory_space<hbm>> -> memref<1000000x64xf32, #tpu.memory_space<hbm>>
    tpu.wait_indirect_dma semaphore(%arg13 : memref<!tpu.dma_semaphore, #tpu.memory_space<semaphore_mem>>) src(%dma_wait3A_183 : memref<1000000x64xf32, #tpu.memory_space<hbm>>) dst(%dma_wait3A_177 : memref<128x64xf32, #tpu.memory_space<vmem>>)
    %iota3A = tpu.iota {dimensions = array<i32: 0>} : vector<16xi32>
    %broadcast_in_dim3A = arith.constant 0.000000e+00 : f32
    %broadcast_in_dim3A_184 = vector.broadcast %broadcast_in_dim3A : f32 to vector<16xf32>
    %scan3A = arith.constant 0 : i32
    %scan3A_185 = arith.constant 32 : i32
    %scan3A_186 = arith.addi %scan3A, %scan3A_185 : i32
    %scan3A_187 = arith.constant 1 : i32
    %scan3A_188:2 = scf.for %scan3A_195 = %scan3A to %scan3A_186 step %scan3A_187 iter_args(%scan3A_196 = %broadcast_in_dim3A_184, %scan3A_197 = %broadcast_in_dim3A_184) -> (vector<16xf32>, vector<16xf32>)  : i32 {
      %mul3A_198 = arith.constant 16 : i32
      %mul3A_199 = arith.muli %scan3A_195, %mul3A_198 : i32
      %add3A_200 = arith.constant 0 : i32
      %add3A_201 = arith.addi %mul3A_199, %add3A_200 : i32
      %get3A = arith.index_cast %add3A_201 : i32 to index
      %get3A_202 = arith.constant 0 : index
      %get3A_203 = tpu.vector_load %arg9[%get3A, %get3A_202] {strides = array<i32>} : memref<512x64xf32, #tpu.memory_space<vmem>>, vector<16xf32>,
      %get3A_204 = arith.index_cast %add3A_201 : i32 to index
      %get3A_205 = arith.constant 0 : index
      %get3A_206 = tpu.vector_load %arg10[%get3A_204, %get3A_205] {strides = array<i32>} : memref<512x64xf32, #tpu.memory_space<vmem>>, vector<16xf32>,
      %mul3A_207 = arith.mulf %get3A_203, %get3A_206 : vector<16xf32>
      %add3A_208 = arith.addf %broadcast_in_dim3A_184, %mul3A_207 : vector<16xf32>
      %get3A_209 = arith.index_cast %add3A_201 : i32 to index
      %get3A_210 = arith.constant 16 : index
      %get3A_211 = tpu.vector_load %arg9[%get3A_209, %get3A_210] {strides = array<i32>} : memref<512x64xf32, #tpu.memory_space<vmem>>, vector<16xf32>,
      %get3A_212 = arith.index_cast %add3A_201 : i32 to index
      %get3A_213 = arith.constant 16 : index
      %get3A_214 = tpu.vector_load %arg10[%get3A_212, %get3A_213] {strides = array<i32>} : memref<512x64xf32, #tpu.memory_space<vmem>>, vector<16xf32>,
      %mul3A_215 = arith.mulf %get3A_211, %get3A_214 : vector<16xf32>
      %add3A_216 = arith.addf %add3A_208, %mul3A_215 : vector<16xf32>
      %get3A_217 = arith.index_cast %add3A_201 : i32 to index
      %get3A_218 = arith.constant 32 : index
      %get3A_219 = tpu.vector_load %arg9[%get3A_217, %get3A_218] {strides = array<i32>} : memref<512x64xf32, #tpu.memory_space<vmem>>, vector<16xf32>,
      %get3A_220 = arith.index_cast %add3A_201 : i32 to index
      %get3A_221 = arith.constant 32 : index
      %get3A_222 = tpu.vector_load %arg10[%get3A_220, %get3A_221] {strides = array<i32>} : memref<512x64xf32, #tpu.memory_space<vmem>>, vector<16xf32>,
      %mul3A_223 = arith.mulf %get3A_219, %get3A_222 : vector<16xf32>
      %add3A_224 = arith.addf %add3A_216, %mul3A_223 : vector<16xf32>
      %get3A_225 = arith.index_cast %add3A_201 : i32 to index
      %get3A_226 = arith.constant 48 : index
      %get3A_227 = tpu.vector_load %arg9[%get3A_225, %get3A_226] {strides = array<i32>} : memref<512x64xf32, #tpu.memory_space<vmem>>, vector<16xf32>,
      %get3A_228 = arith.index_cast %add3A_201 : i32 to index
      %get3A_229 = arith.constant 48 : index
      %get3A_230 = tpu.vector_load %arg10[%get3A_228, %get3A_229] {strides = array<i32>} : memref<512x64xf32, #tpu.memory_space<vmem>>, vector<16xf32>,
      %mul3A_231 = arith.mulf %get3A_227, %get3A_230 : vector<16xf32>
      %add3A_232 = arith.addf %add3A_224, %mul3A_231 : vector<16xf32>
      %reduce_sum3A = arith.constant true
      %reduce_sum3A_233 = vector.broadcast %reduce_sum3A : i1 to vector<16xi1>
      %reduce_sum3A_234 = tpu.scan <sum>, %add3A_232 masked %reduce_sum3A_233 : vector<16xf32>, vector<16xi1> -> vector<16xf32>
      %reduce_sum3A_235 = vector.extract %reduce_sum3A_234[15] : f32 from vector<16xf32>
      %eq3A = arith.constant 0 : i32
      %eq3A_236 = vector.broadcast %eq3A : i32 to vector<16xi32>
      %eq3A_237 = arith.cmpi eq, %iota3A, %eq3A_236 : vector<16xi32>
      %jit3A = arith.constant 0.000000e+00 : f32
      %broadcast_in_dim3A_238 = vector.broadcast %reduce_sum3A_235 : f32 to vector<16xf32>
      %broadcast_in_dim3A_239 = vector.broadcast %jit3A : f32 to vector<16xf32>
      %select_n3A = arith.select %eq3A_237, %broadcast_in_dim3A_238, %broadcast_in_dim3A_239 : vector<16xi1>, vector<16xf32>
      %add3A_240 = arith.addf %broadcast_in_dim3A_184, %select_n3A : vector<16xf32>
      %add3A_241 = arith.constant 1 : i32
      %add3A_242 = arith.addi %mul3A_199, %add3A_241 : i32
      %get3A_243 = arith.index_cast %add3A_242 : i32 to index
      %get3A_244 = arith.constant 0 : index
      %get3A_245 = tpu.vector_load %arg9[%get3A_243, %get3A_244] {strides = array<i32>} : memref<512x64xf32, #tpu.memory_space<vmem>>, vector<16xf32>,
      %get3A_246 = arith.index_cast %add3A_242 : i32 to index
      %get3A_247 = arith.constant 0 : index
      %get3A_248 = tpu.vector_load %arg10[%get3A_246, %get3A_247] {strides = array<i32>} : memref<512x64xf32, #tpu.memory_space<vmem>>, vector<16xf32>,
      %mul3A_249 = arith.mulf %get3A_245, %get3A_248 : vector<16xf32>
      %add3A_250 = arith.addf %broadcast_in_dim3A_184, %mul3A_249 : vector<16xf32>
      %get3A_251 = arith.index_cast %add3A_242 : i32 to index
      %get3A_252 = arith.constant 16 : index
      %get3A_253 = tpu.vector_load %arg9[%get3A_251, %get3A_252] {strides = array<i32>} : memref<512x64xf32, #tpu.memory_space<vmem>>, vector<16xf32>,
      %get3A_254 = arith.index_cast %add3A_242 : i32 to index
      %get3A_255 = arith.constant 16 : index
      %get3A_256 = tpu.vector_load %arg10[%get3A_254, %get3A_255] {strides = array<i32>} : memref<512x64xf32, #tpu.memory_space<vmem>>, vector<16xf32>,
      %mul3A_257 = arith.mulf %get3A_253, %get3A_256 : vector<16xf32>
      %add3A_258 = arith.addf %add3A_250, %mul3A_257 : vector<16xf32>
      %get3A_259 = arith.index_cast %add3A_242 : i32 to index
      %get3A_260 = arith.constant 32 : index
      %get3A_261 = tpu.vector_load %arg9[%get3A_259, %get3A_260] {strides = array<i32>} : memref<512x64xf32, #tpu.memory_space<vmem>>, vector<16xf32>,
      %get3A_262 = arith.index_cast %add3A_242 : i32 to index
      %get3A_263 = arith.constant 32 : index
      %get3A_264 = tpu.vector_load %arg10[%get3A_262, %get3A_263] {strides = array<i32>} : memref<512x64xf32, #tpu.memory_space<vmem>>, vector<16xf32>,
      %mul3A_265 = arith.mulf %get3A_261, %get3A_264 : vector<16xf32>
      %add3A_266 = arith.addf %add3A_258, %mul3A_265 : vector<16xf32>
      %get3A_267 = arith.index_cast %add3A_242 : i32 to index
      %get3A_268 = arith.constant 48 : index
      %get3A_269 = tpu.vector_load %arg9[%get3A_267, %get3A_268] {strides = array<i32>} : memref<512x64xf32, #tpu.memory_space<vmem>>, vector<16xf32>,
      %get3A_270 = arith.index_cast %add3A_242 : i32 to index
      %get3A_271 = arith.constant 48 : index
      %get3A_272 = tpu.vector_load %arg10[%get3A_270, %get3A_271] {strides = array<i32>} : memref<512x64xf32, #tpu.memory_space<vmem>>, vector<16xf32>,
      %mul3A_273 = arith.mulf %get3A_269, %get3A_272 : vector<16xf32>
      %add3A_274 = arith.addf %add3A_266, %mul3A_273 : vector<16xf32>
      %reduce_sum3A_275 = arith.constant true
      %reduce_sum3A_276 = vector.broadcast %reduce_sum3A_275 : i1 to vector<16xi1>
      %reduce_sum3A_277 = tpu.scan <sum>, %add3A_274 masked %reduce_sum3A_276 : vector<16xf32>, vector<16xi1> -> vector<16xf32>
      %reduce_sum3A_278 = vector.extract %reduce_sum3A_277[15] : f32 from vector<16xf32>
      %eq3A_279 = arith.constant 1 : i32
      %eq3A_280 = vector.broadcast %eq3A_279 : i32 to vector<16xi32>
      %eq3A_281 = arith.cmpi eq, %iota3A, %eq3A_280 : vector<16xi32>
      %jit3A_282 = arith.constant 0.000000e+00 : f32
      %broadcast_in_dim3A_283 = vector.broadcast %reduce_sum3A_278 : f32 to vector<16xf32>
      %broadcast_in_dim3A_284 = vector.broadcast %jit3A_282 : f32 to vector<16xf32>
      %select_n3A_285 = arith.select %eq3A_281, %broadcast_in_dim3A_283, %broadcast_in_dim3A_284 : vector<16xi1>, vector<16xf32>
      %add3A_286 = arith.addf %add3A_240, %select_n3A_285 : vector<16xf32>
      %add3A_287 = arith.constant 2 : i32
      %add3A_288 = arith.addi %mul3A_199, %add3A_287 : i32
      %get3A_289 = arith.index_cast %add3A_288 : i32 to index
      %get3A_290 = arith.constant 0 : index
      %get3A_291 = tpu.vector_load %arg9[%get3A_289, %get3A_290] {strides = array<i32>} : memref<512x64xf32, #tpu.memory_space<vmem>>, vector<16xf32>,
      %get3A_292 = arith.index_cast %add3A_288 : i32 to index
      %get3A_293 = arith.constant 0 : index
      %get3A_294 = tpu.vector_load %arg10[%get3A_292, %get3A_293] {strides = array<i32>} : memref<512x64xf32, #tpu.memory_space<vmem>>, vector<16xf32>,
      %mul3A_295 = arith.mulf %get3A_291, %get3A_294 : vector<16xf32>
      %add3A_296 = arith.addf %broadcast_in_dim3A_184, %mul3A_295 : vector<16xf32>
      %get3A_297 = arith.index_cast %add3A_288 : i32 to index
      %get3A_298 = arith.constant 16 : index
      %get3A_299 = tpu.vector_load %arg9[%get3A_297, %get3A_298] {strides = array<i32>} : memref<512x64xf32, #tpu.memory_space<vmem>>, vector<16xf32>,
      %get3A_300 = arith.index_cast %add3A_288 : i32 to index
      %get3A_301 = arith.constant 16 : index
      %get3A_302 = tpu.vector_load %arg10[%get3A_300, %get3A_301] {strides = array<i32>} : memref<512x64xf32, #tpu.memory_space<vmem>>, vector<16xf32>,
      %mul3A_303 = arith.mulf %get3A_299, %get3A_302 : vector<16xf32>
      %add3A_304 = arith.addf %add3A_296, %mul3A_303 : vector<16xf32>
      %get3A_305 = arith.index_cast %add3A_288 : i32 to index
      %get3A_306 = arith.constant 32 : index
      %get3A_307 = tpu.vector_load %arg9[%get3A_305, %get3A_306] {strides = array<i32>} : memref<512x64xf32, #tpu.memory_space<vmem>>, vector<16xf32>,
      %get3A_308 = arith.index_cast %add3A_288 : i32 to index
      %get3A_309 = arith.constant 32 : index
      %get3A_310 = tpu.vector_load %arg10[%get3A_308, %get3A_309] {strides = array<i32>} : memref<512x64xf32, #tpu.memory_space<vmem>>, vector<16xf32>,
      %mul3A_311 = arith.mulf %get3A_307, %get3A_310 : vector<16xf32>
      %add3A_312 = arith.addf %add3A_304, %mul3A_311 : vector<16xf32>
      %get3A_313 = arith.index_cast %add3A_288 : i32 to index
      %get3A_314 = arith.constant 48 : index
      %get3A_315 = tpu.vector_load %arg9[%get3A_313, %get3A_314] {strides = array<i32>} : memref<512x64xf32, #tpu.memory_space<vmem>>, vector<16xf32>,
      %get3A_316 = arith.index_cast %add3A_288 : i32 to index
      %get3A_317 = arith.constant 48 : index
      %get3A_318 = tpu.vector_load %arg10[%get3A_316, %get3A_317] {strides = array<i32>} : memref<512x64xf32, #tpu.memory_space<vmem>>, vector<16xf32>,
      %mul3A_319 = arith.mulf %get3A_315, %get3A_318 : vector<16xf32>
      %add3A_320 = arith.addf %add3A_312, %mul3A_319 : vector<16xf32>
      %reduce_sum3A_321 = arith.constant true
      %reduce_sum3A_322 = vector.broadcast %reduce_sum3A_321 : i1 to vector<16xi1>
      %reduce_sum3A_323 = tpu.scan <sum>, %add3A_320 masked %reduce_sum3A_322 : vector<16xf32>, vector<16xi1> -> vector<16xf32>
      %reduce_sum3A_324 = vector.extract %reduce_sum3A_323[15] : f32 from vector<16xf32>
      %eq3A_325 = arith.constant 2 : i32
      %eq3A_326 = vector.broadcast %eq3A_325 : i32 to vector<16xi32>
      %eq3A_327 = arith.cmpi eq, %iota3A, %eq3A_326 : vector<16xi32>
      %jit3A_328 = arith.constant 0.000000e+00 : f32
      %broadcast_in_dim3A_329 = vector.broadcast %reduce_sum3A_324 : f32 to vector<16xf32>
      %broadcast_in_dim3A_330 = vector.broadcast %jit3A_328 : f32 to vector<16xf32>
      %select_n3A_331 = arith.select %eq3A_327, %broadcast_in_dim3A_329, %broadcast_in_dim3A_330 : vector<16xi1>, vector<16xf32>
      %add3A_332 = arith.addf %add3A_286, %select_n3A_331 : vector<16xf32>
      %add3A_333 = arith.constant 3 : i32
      %add3A_334 = arith.addi %mul3A_199, %add3A_333 : i32
      %get3A_335 = arith.index_cast %add3A_334 : i32 to index
      %get3A_336 = arith.constant 0 : index
      %get3A_337 = tpu.vector_load %arg9[%get3A_335, %get3A_336] {strides = array<i32>} : memref<512x64xf32, #tpu.memory_space<vmem>>, vector<16xf32>,
      %get3A_338 = arith.index_cast %add3A_334 : i32 to index
      %get3A_339 = arith.constant 0 : index
      %get3A_340 = tpu.vector_load %arg10[%get3A_338, %get3A_339] {strides = array<i32>} : memref<512x64xf32, #tpu.memory_space<vmem>>, vector<16xf32>,
      %mul3A_341 = arith.mulf %get3A_337, %get3A_340 : vector<16xf32>
      %add3A_342 = arith.addf %broadcast_in_dim3A_184, %mul3A_341 : vector<16xf32>
      %get3A_343 = arith.index_cast %add3A_334 : i32 to index
      %get3A_344 = arith.constant 16 : index
      %get3A_345 = tpu.vector_load %arg9[%get3A_343, %get3A_344] {strides = array<i32>} : memref<512x64xf32, #tpu.memory_space<vmem>>, vector<16xf32>,
      %get3A_346 = arith.index_cast %add3A_334 : i32 to index
      %get3A_347 = arith.constant 16 : index
      %get3A_348 = tpu.vector_load %arg10[%get3A_346, %get3A_347] {strides = array<i32>} : memref<512x64xf32, #tpu.memory_space<vmem>>, vector<16xf32>,
      %mul3A_349 = arith.mulf %get3A_345, %get3A_348 : vector<16xf32>
      %add3A_350 = arith.addf %add3A_342, %mul3A_349 : vector<16xf32>
      %get3A_351 = arith.index_cast %add3A_334 : i32 to index
      %get3A_352 = arith.constant 32 : index
      %get3A_353 = tpu.vector_load %arg9[%get3A_351, %get3A_352] {strides = array<i32>} : memref<512x64xf32, #tpu.memory_space<vmem>>, vector<16xf32>,
      %get3A_354 = arith.index_cast %add3A_334 : i32 to index
      %get3A_355 = arith.constant 32 : index
      %get3A_356 = tpu.vector_load %arg10[%get3A_354, %get3A_355] {strides = array<i32>} : memref<512x64xf32, #tpu.memory_space<vmem>>, vector<16xf32>,
      %mul3A_357 = arith.mulf %get3A_353, %get3A_356 : vector<16xf32>
      %add3A_358 = arith.addf %add3A_350, %mul3A_357 : vector<16xf32>
      %get3A_359 = arith.index_cast %add3A_334 : i32 to index
      %get3A_360 = arith.constant 48 : index
      %get3A_361 = tpu.vector_load %arg9[%get3A_359, %get3A_360] {strides = array<i32>} : memref<512x64xf32, #tpu.memory_space<vmem>>, vector<16xf32>,
      %get3A_362 = arith.index_cast %add3A_334 : i32 to index
      %get3A_363 = arith.constant 48 : index
      %get3A_364 = tpu.vector_load %arg10[%get3A_362, %get3A_363] {strides = array<i32>} : memref<512x64xf32, #tpu.memory_space<vmem>>, vector<16xf32>,
      %mul3A_365 = arith.mulf %get3A_361, %get3A_364 : vector<16xf32>
      %add3A_366 = arith.addf %add3A_358, %mul3A_365 : vector<16xf32>
      %reduce_sum3A_367 = arith.constant true
      %reduce_sum3A_368 = vector.broadcast %reduce_sum3A_367 : i1 to vector<16xi1>
      %reduce_sum3A_369 = tpu.scan <sum>, %add3A_366 masked %reduce_sum3A_368 : vector<16xf32>, vector<16xi1> -> vector<16xf32>
      %reduce_sum3A_370 = vector.extract %reduce_sum3A_369[15] : f32 from vector<16xf32>
      %eq3A_371 = arith.constant 3 : i32
      %eq3A_372 = vector.broadcast %eq3A_371 : i32 to vector<16xi32>
      %eq3A_373 = arith.cmpi eq, %iota3A, %eq3A_372 : vector<16xi32>
      %jit3A_374 = arith.constant 0.000000e+00 : f32
      %broadcast_in_dim3A_375 = vector.broadcast %reduce_sum3A_370 : f32 to vector<16xf32>
      %broadcast_in_dim3A_376 = vector.broadcast %jit3A_374 : f32 to vector<16xf32>
      %select_n3A_377 = arith.select %eq3A_373, %broadcast_in_dim3A_375, %broadcast_in_dim3A_376 : vector<16xi1>, vector<16xf32>
      %add3A_378 = arith.addf %add3A_332, %select_n3A_377 : vector<16xf32>
      %add3A_379 = arith.constant 4 : i32
      %add3A_380 = arith.addi %mul3A_199, %add3A_379 : i32
      %get3A_381 = arith.index_cast %add3A_380 : i32 to index
      %get3A_382 = arith.constant 0 : index
      %get3A_383 = tpu.vector_load %arg9[%get3A_381, %get3A_382] {strides = array<i32>} : memref<512x64xf32, #tpu.memory_space<vmem>>, vector<16xf32>,
      %get3A_384 = arith.index_cast %add3A_380 : i32 to index
      %get3A_385 = arith.constant 0 : index
      %get3A_386 = tpu.vector_load %arg10[%get3A_384, %get3A_385] {strides = array<i32>} : memref<512x64xf32, #tpu.memory_space<vmem>>, vector<16xf32>,
      %mul3A_387 = arith.mulf %get3A_383, %get3A_386 : vector<16xf32>
      %add3A_388 = arith.addf %broadcast_in_dim3A_184, %mul3A_387 : vector<16xf32>
      %get3A_389 = arith.index_cast %add3A_380 : i32 to index
      %get3A_390 = arith.constant 16 : index
      %get3A_391 = tpu.vector_load %arg9[%get3A_389, %get3A_390] {strides = array<i32>} : memref<512x64xf32, #tpu.memory_space<vmem>>, vector<16xf32>,
      %get3A_392 = arith.index_cast %add3A_380 : i32 to index
      %get3A_393 = arith.constant 16 : index
      %get3A_394 = tpu.vector_load %arg10[%get3A_392, %get3A_393] {strides = array<i32>} : memref<512x64xf32, #tpu.memory_space<vmem>>, vector<16xf32>,
      %mul3A_395 = arith.mulf %get3A_391, %get3A_394 : vector<16xf32>
      %add3A_396 = arith.addf %add3A_388, %mul3A_395 : vector<16xf32>
      %get3A_397 = arith.index_cast %add3A_380 : i32 to index
      %get3A_398 = arith.constant 32 : index
      %get3A_399 = tpu.vector_load %arg9[%get3A_397, %get3A_398] {strides = array<i32>} : memref<512x64xf32, #tpu.memory_space<vmem>>, vector<16xf32>,
      %get3A_400 = arith.index_cast %add3A_380 : i32 to index
      %get3A_401 = arith.constant 32 : index
      %get3A_402 = tpu.vector_load %arg10[%get3A_400, %get3A_401] {strides = array<i32>} : memref<512x64xf32, #tpu.memory_space<vmem>>, vector<16xf32>,
      %mul3A_403 = arith.mulf %get3A_399, %get3A_402 : vector<16xf32>
      %add3A_404 = arith.addf %add3A_396, %mul3A_403 : vector<16xf32>
      %get3A_405 = arith.index_cast %add3A_380 : i32 to index
      %get3A_406 = arith.constant 48 : index
      %get3A_407 = tpu.vector_load %arg9[%get3A_405, %get3A_406] {strides = array<i32>} : memref<512x64xf32, #tpu.memory_space<vmem>>, vector<16xf32>,
      %get3A_408 = arith.index_cast %add3A_380 : i32 to index
      %get3A_409 = arith.constant 48 : index
      %get3A_410 = tpu.vector_load %arg10[%get3A_408, %get3A_409] {strides = array<i32>} : memref<512x64xf32, #tpu.memory_space<vmem>>, vector<16xf32>,
      %mul3A_411 = arith.mulf %get3A_407, %get3A_410 : vector<16xf32>
      %add3A_412 = arith.addf %add3A_404, %mul3A_411 : vector<16xf32>
      %reduce_sum3A_413 = arith.constant true
      %reduce_sum3A_414 = vector.broadcast %reduce_sum3A_413 : i1 to vector<16xi1>
      %reduce_sum3A_415 = tpu.scan <sum>, %add3A_412 masked %reduce_sum3A_414 : vector<16xf32>, vector<16xi1> -> vector<16xf32>
      %reduce_sum3A_416 = vector.extract %reduce_sum3A_415[15] : f32 from vector<16xf32>
      %eq3A_417 = arith.constant 4 : i32
      %eq3A_418 = vector.broadcast %eq3A_417 : i32 to vector<16xi32>
      %eq3A_419 = arith.cmpi eq, %iota3A, %eq3A_418 : vector<16xi32>
      %jit3A_420 = arith.constant 0.000000e+00 : f32
      %broadcast_in_dim3A_421 = vector.broadcast %reduce_sum3A_416 : f32 to vector<16xf32>
      %broadcast_in_dim3A_422 = vector.broadcast %jit3A_420 : f32 to vector<16xf32>
      %select_n3A_423 = arith.select %eq3A_419, %broadcast_in_dim3A_421, %broadcast_in_dim3A_422 : vector<16xi1>, vector<16xf32>
      %add3A_424 = arith.addf %add3A_378, %select_n3A_423 : vector<16xf32>
      %add3A_425 = arith.constant 5 : i32
      %add3A_426 = arith.addi %mul3A_199, %add3A_425 : i32
      %get3A_427 = arith.index_cast %add3A_426 : i32 to index
      %get3A_428 = arith.constant 0 : index
      %get3A_429 = tpu.vector_load %arg9[%get3A_427, %get3A_428] {strides = array<i32>} : memref<512x64xf32, #tpu.memory_space<vmem>>, vector<16xf32>,
      %get3A_430 = arith.index_cast %add3A_426 : i32 to index
      %get3A_431 = arith.constant 0 : index
      %get3A_432 = tpu.vector_load %arg10[%get3A_430, %get3A_431] {strides = array<i32>} : memref<512x64xf32, #tpu.memory_space<vmem>>, vector<16xf32>,
      %mul3A_433 = arith.mulf %get3A_429, %get3A_432 : vector<16xf32>
      %add3A_434 = arith.addf %broadcast_in_dim3A_184, %mul3A_433 : vector<16xf32>
      %get3A_435 = arith.index_cast %add3A_426 : i32 to index
      %get3A_436 = arith.constant 16 : index
      %get3A_437 = tpu.vector_load %arg9[%get3A_435, %get3A_436] {strides = array<i32>} : memref<512x64xf32, #tpu.memory_space<vmem>>, vector<16xf32>,
      %get3A_438 = arith.index_cast %add3A_426 : i32 to index
      %get3A_439 = arith.constant 16 : index
      %get3A_440 = tpu.vector_load %arg10[%get3A_438, %get3A_439] {strides = array<i32>} : memref<512x64xf32, #tpu.memory_space<vmem>>, vector<16xf32>,
      %mul3A_441 = arith.mulf %get3A_437, %get3A_440 : vector<16xf32>
      %add3A_442 = arith.addf %add3A_434, %mul3A_441 : vector<16xf32>
      %get3A_443 = arith.index_cast %add3A_426 : i32 to index
      %get3A_444 = arith.constant 32 : index
      %get3A_445 = tpu.vector_load %arg9[%get3A_443, %get3A_444] {strides = array<i32>} : memref<512x64xf32, #tpu.memory_space<vmem>>, vector<16xf32>,
      %get3A_446 = arith.index_cast %add3A_426 : i32 to index
      %get3A_447 = arith.constant 32 : index
      %get3A_448 = tpu.vector_load %arg10[%get3A_446, %get3A_447] {strides = array<i32>} : memref<512x64xf32, #tpu.memory_space<vmem>>, vector<16xf32>,
      %mul3A_449 = arith.mulf %get3A_445, %get3A_448 : vector<16xf32>
      %add3A_450 = arith.addf %add3A_442, %mul3A_449 : vector<16xf32>
      %get3A_451 = arith.index_cast %add3A_426 : i32 to index
      %get3A_452 = arith.constant 48 : index
      %get3A_453 = tpu.vector_load %arg9[%get3A_451, %get3A_452] {strides = array<i32>} : memref<512x64xf32, #tpu.memory_space<vmem>>, vector<16xf32>,
      %get3A_454 = arith.index_cast %add3A_426 : i32 to index
      %get3A_455 = arith.constant 48 : index
      %get3A_456 = tpu.vector_load %arg10[%get3A_454, %get3A_455] {strides = array<i32>} : memref<512x64xf32, #tpu.memory_space<vmem>>, vector<16xf32>,
      %mul3A_457 = arith.mulf %get3A_453, %get3A_456 : vector<16xf32>
      %add3A_458 = arith.addf %add3A_450, %mul3A_457 : vector<16xf32>
      %reduce_sum3A_459 = arith.constant true
      %reduce_sum3A_460 = vector.broadcast %reduce_sum3A_459 : i1 to vector<16xi1>
      %reduce_sum3A_461 = tpu.scan <sum>, %add3A_458 masked %reduce_sum3A_460 : vector<16xf32>, vector<16xi1> -> vector<16xf32>
      %reduce_sum3A_462 = vector.extract %reduce_sum3A_461[15] : f32 from vector<16xf32>
      %eq3A_463 = arith.constant 5 : i32
      %eq3A_464 = vector.broadcast %eq3A_463 : i32 to vector<16xi32>
      %eq3A_465 = arith.cmpi eq, %iota3A, %eq3A_464 : vector<16xi32>
      %jit3A_466 = arith.constant 0.000000e+00 : f32
      %broadcast_in_dim3A_467 = vector.broadcast %reduce_sum3A_462 : f32 to vector<16xf32>
      %broadcast_in_dim3A_468 = vector.broadcast %jit3A_466 : f32 to vector<16xf32>
      %select_n3A_469 = arith.select %eq3A_465, %broadcast_in_dim3A_467, %broadcast_in_dim3A_468 : vector<16xi1>, vector<16xf32>
      %add3A_470 = arith.addf %add3A_424, %select_n3A_469 : vector<16xf32>
      %add3A_471 = arith.constant 6 : i32
      %add3A_472 = arith.addi %mul3A_199, %add3A_471 : i32
      %get3A_473 = arith.index_cast %add3A_472 : i32 to index
      %get3A_474 = arith.constant 0 : index
      %get3A_475 = tpu.vector_load %arg9[%get3A_473, %get3A_474] {strides = array<i32>} : memref<512x64xf32, #tpu.memory_space<vmem>>, vector<16xf32>,
      %get3A_476 = arith.index_cast %add3A_472 : i32 to index
      %get3A_477 = arith.constant 0 : index
      %get3A_478 = tpu.vector_load %arg10[%get3A_476, %get3A_477] {strides = array<i32>} : memref<512x64xf32, #tpu.memory_space<vmem>>, vector<16xf32>,
      %mul3A_479 = arith.mulf %get3A_475, %get3A_478 : vector<16xf32>
      %add3A_480 = arith.addf %broadcast_in_dim3A_184, %mul3A_479 : vector<16xf32>
      %get3A_481 = arith.index_cast %add3A_472 : i32 to index
      %get3A_482 = arith.constant 16 : index
      %get3A_483 = tpu.vector_load %arg9[%get3A_481, %get3A_482] {strides = array<i32>} : memref<512x64xf32, #tpu.memory_space<vmem>>, vector<16xf32>,
      %get3A_484 = arith.index_cast %add3A_472 : i32 to index
      %get3A_485 = arith.constant 16 : index
      %get3A_486 = tpu.vector_load %arg10[%get3A_484, %get3A_485] {strides = array<i32>} : memref<512x64xf32, #tpu.memory_space<vmem>>, vector<16xf32>,
      %mul3A_487 = arith.mulf %get3A_483, %get3A_486 : vector<16xf32>
      %add3A_488 = arith.addf %add3A_480, %mul3A_487 : vector<16xf32>
      %get3A_489 = arith.index_cast %add3A_472 : i32 to index
      %get3A_490 = arith.constant 32 : index
      %get3A_491 = tpu.vector_load %arg9[%get3A_489, %get3A_490] {strides = array<i32>} : memref<512x64xf32, #tpu.memory_space<vmem>>, vector<16xf32>,
      %get3A_492 = arith.index_cast %add3A_472 : i32 to index
      %get3A_493 = arith.constant 32 : index
      %get3A_494 = tpu.vector_load %arg10[%get3A_492, %get3A_493] {strides = array<i32>} : memref<512x64xf32, #tpu.memory_space<vmem>>, vector<16xf32>,
      %mul3A_495 = arith.mulf %get3A_491, %get3A_494 : vector<16xf32>
      %add3A_496 = arith.addf %add3A_488, %mul3A_495 : vector<16xf32>
      %get3A_497 = arith.index_cast %add3A_472 : i32 to index
      %get3A_498 = arith.constant 48 : index
      %get3A_499 = tpu.vector_load %arg9[%get3A_497, %get3A_498] {strides = array<i32>} : memref<512x64xf32, #tpu.memory_space<vmem>>, vector<16xf32>,
      %get3A_500 = arith.index_cast %add3A_472 : i32 to index
      %get3A_501 = arith.constant 48 : index
      %get3A_502 = tpu.vector_load %arg10[%get3A_500, %get3A_501] {strides = array<i32>} : memref<512x64xf32, #tpu.memory_space<vmem>>, vector<16xf32>,
      %mul3A_503 = arith.mulf %get3A_499, %get3A_502 : vector<16xf32>
      %add3A_504 = arith.addf %add3A_496, %mul3A_503 : vector<16xf32>
      %reduce_sum3A_505 = arith.constant true
      %reduce_sum3A_506 = vector.broadcast %reduce_sum3A_505 : i1 to vector<16xi1>
      %reduce_sum3A_507 = tpu.scan <sum>, %add3A_504 masked %reduce_sum3A_506 : vector<16xf32>, vector<16xi1> -> vector<16xf32>
      %reduce_sum3A_508 = vector.extract %reduce_sum3A_507[15] : f32 from vector<16xf32>
      %eq3A_509 = arith.constant 6 : i32
      %eq3A_510 = vector.broadcast %eq3A_509 : i32 to vector<16xi32>
      %eq3A_511 = arith.cmpi eq, %iota3A, %eq3A_510 : vector<16xi32>
      %jit3A_512 = arith.constant 0.000000e+00 : f32
      %broadcast_in_dim3A_513 = vector.broadcast %reduce_sum3A_508 : f32 to vector<16xf32>
      %broadcast_in_dim3A_514 = vector.broadcast %jit3A_512 : f32 to vector<16xf32>
      %select_n3A_515 = arith.select %eq3A_511, %broadcast_in_dim3A_513, %broadcast_in_dim3A_514 : vector<16xi1>, vector<16xf32>
      %add3A_516 = arith.addf %add3A_470, %select_n3A_515 : vector<16xf32>
      %add3A_517 = arith.constant 7 : i32
      %add3A_518 = arith.addi %mul3A_199, %add3A_517 : i32
      %get3A_519 = arith.index_cast %add3A_518 : i32 to index
      %get3A_520 = arith.constant 0 : index
      %get3A_521 = tpu.vector_load %arg9[%get3A_519, %get3A_520] {strides = array<i32>} : memref<512x64xf32, #tpu.memory_space<vmem>>, vector<16xf32>,
      %get3A_522 = arith.index_cast %add3A_518 : i32 to index
      %get3A_523 = arith.constant 0 : index
      %get3A_524 = tpu.vector_load %arg10[%get3A_522, %get3A_523] {strides = array<i32>} : memref<512x64xf32, #tpu.memory_space<vmem>>, vector<16xf32>,
      %mul3A_525 = arith.mulf %get3A_521, %get3A_524 : vector<16xf32>
      %add3A_526 = arith.addf %broadcast_in_dim3A_184, %mul3A_525 : vector<16xf32>
      %get3A_527 = arith.index_cast %add3A_518 : i32 to index
      %get3A_528 = arith.constant 16 : index
      %get3A_529 = tpu.vector_load %arg9[%get3A_527, %get3A_528] {strides = array<i32>} : memref<512x64xf32, #tpu.memory_space<vmem>>, vector<16xf32>,
      %get3A_530 = arith.index_cast %add3A_518 : i32 to index
      %get3A_531 = arith.constant 16 : index
      %get3A_532 = tpu.vector_load %arg10[%get3A_530, %get3A_531] {strides = array<i32>} : memref<512x64xf32, #tpu.memory_space<vmem>>, vector<16xf32>,
      %mul3A_533 = arith.mulf %get3A_529, %get3A_532 : vector<16xf32>
      %add3A_534 = arith.addf %add3A_526, %mul3A_533 : vector<16xf32>
      %get3A_535 = arith.index_cast %add3A_518 : i32 to index
      %get3A_536 = arith.constant 32 : index
      %get3A_537 = tpu.vector_load %arg9[%get3A_535, %get3A_536] {strides = array<i32>} : memref<512x64xf32, #tpu.memory_space<vmem>>, vector<16xf32>,
      %get3A_538 = arith.index_cast %add3A_518 : i32 to index
      %get3A_539 = arith.constant 32 : index
      %get3A_540 = tpu.vector_load %arg10[%get3A_538, %get3A_539] {strides = array<i32>} : memref<512x64xf32, #tpu.memory_space<vmem>>, vector<16xf32>,
      %mul3A_541 = arith.mulf %get3A_537, %get3A_540 : vector<16xf32>
      %add3A_542 = arith.addf %add3A_534, %mul3A_541 : vector<16xf32>
      %get3A_543 = arith.index_cast %add3A_518 : i32 to index
      %get3A_544 = arith.constant 48 : index
      %get3A_545 = tpu.vector_load %arg9[%get3A_543, %get3A_544] {strides = array<i32>} : memref<512x64xf32, #tpu.memory_space<vmem>>, vector<16xf32>,
      %get3A_546 = arith.index_cast %add3A_518 : i32 to index
      %get3A_547 = arith.constant 48 : index
      %get3A_548 = tpu.vector_load %arg10[%get3A_546, %get3A_547] {strides = array<i32>} : memref<512x64xf32, #tpu.memory_space<vmem>>, vector<16xf32>,
      %mul3A_549 = arith.mulf %get3A_545, %get3A_548 : vector<16xf32>
      %add3A_550 = arith.addf %add3A_542, %mul3A_549 : vector<16xf32>
      %reduce_sum3A_551 = arith.constant true
      %reduce_sum3A_552 = vector.broadcast %reduce_sum3A_551 : i1 to vector<16xi1>
      %reduce_sum3A_553 = tpu.scan <sum>, %add3A_550 masked %reduce_sum3A_552 : vector<16xf32>, vector<16xi1> -> vector<16xf32>
      %reduce_sum3A_554 = vector.extract %reduce_sum3A_553[15] : f32 from vector<16xf32>
      %eq3A_555 = arith.constant 7 : i32
      %eq3A_556 = vector.broadcast %eq3A_555 : i32 to vector<16xi32>
      %eq3A_557 = arith.cmpi eq, %iota3A, %eq3A_556 : vector<16xi32>
      %jit3A_558 = arith.constant 0.000000e+00 : f32
      %broadcast_in_dim3A_559 = vector.broadcast %reduce_sum3A_554 : f32 to vector<16xf32>
      %broadcast_in_dim3A_560 = vector.broadcast %jit3A_558 : f32 to vector<16xf32>
      %select_n3A_561 = arith.select %eq3A_557, %broadcast_in_dim3A_559, %broadcast_in_dim3A_560 : vector<16xi1>, vector<16xf32>
      %add3A_562 = arith.addf %add3A_516, %select_n3A_561 : vector<16xf32>
      %add3A_563 = arith.constant 8 : i32
      %add3A_564 = arith.addi %mul3A_199, %add3A_563 : i32
      %get3A_565 = arith.index_cast %add3A_564 : i32 to index
      %get3A_566 = arith.constant 0 : index
      %get3A_567 = tpu.vector_load %arg9[%get3A_565, %get3A_566] {strides = array<i32>} : memref<512x64xf32, #tpu.memory_space<vmem>>, vector<16xf32>,
      %get3A_568 = arith.index_cast %add3A_564 : i32 to index
      %get3A_569 = arith.constant 0 : index
      %get3A_570 = tpu.vector_load %arg10[%get3A_568, %get3A_569] {strides = array<i32>} : memref<512x64xf32, #tpu.memory_space<vmem>>, vector<16xf32>,
      %mul3A_571 = arith.mulf %get3A_567, %get3A_570 : vector<16xf32>
      %add3A_572 = arith.addf %broadcast_in_dim3A_184, %mul3A_571 : vector<16xf32>
      %get3A_573 = arith.index_cast %add3A_564 : i32 to index
      %get3A_574 = arith.constant 16 : index
      %get3A_575 = tpu.vector_load %arg9[%get3A_573, %get3A_574] {strides = array<i32>} : memref<512x64xf32, #tpu.memory_space<vmem>>, vector<16xf32>,
      %get3A_576 = arith.index_cast %add3A_564 : i32 to index
      %get3A_577 = arith.constant 16 : index
      %get3A_578 = tpu.vector_load %arg10[%get3A_576, %get3A_577] {strides = array<i32>} : memref<512x64xf32, #tpu.memory_space<vmem>>, vector<16xf32>,
      %mul3A_579 = arith.mulf %get3A_575, %get3A_578 : vector<16xf32>
      %add3A_580 = arith.addf %add3A_572, %mul3A_579 : vector<16xf32>
      %get3A_581 = arith.index_cast %add3A_564 : i32 to index
      %get3A_582 = arith.constant 32 : index
      %get3A_583 = tpu.vector_load %arg9[%get3A_581, %get3A_582] {strides = array<i32>} : memref<512x64xf32, #tpu.memory_space<vmem>>, vector<16xf32>,
      %get3A_584 = arith.index_cast %add3A_564 : i32 to index
      %get3A_585 = arith.constant 32 : index
      %get3A_586 = tpu.vector_load %arg10[%get3A_584, %get3A_585] {strides = array<i32>} : memref<512x64xf32, #tpu.memory_space<vmem>>, vector<16xf32>,
      %mul3A_587 = arith.mulf %get3A_583, %get3A_586 : vector<16xf32>
      %add3A_588 = arith.addf %add3A_580, %mul3A_587 : vector<16xf32>
      %get3A_589 = arith.index_cast %add3A_564 : i32 to index
      %get3A_590 = arith.constant 48 : index
      %get3A_591 = tpu.vector_load %arg9[%get3A_589, %get3A_590] {strides = array<i32>} : memref<512x64xf32, #tpu.memory_space<vmem>>, vector<16xf32>,
      %get3A_592 = arith.index_cast %add3A_564 : i32 to index
      %get3A_593 = arith.constant 48 : index
      %get3A_594 = tpu.vector_load %arg10[%get3A_592, %get3A_593] {strides = array<i32>} : memref<512x64xf32, #tpu.memory_space<vmem>>, vector<16xf32>,
      %mul3A_595 = arith.mulf %get3A_591, %get3A_594 : vector<16xf32>
      %add3A_596 = arith.addf %add3A_588, %mul3A_595 : vector<16xf32>
      %reduce_sum3A_597 = arith.constant true
      %reduce_sum3A_598 = vector.broadcast %reduce_sum3A_597 : i1 to vector<16xi1>
      %reduce_sum3A_599 = tpu.scan <sum>, %add3A_596 masked %reduce_sum3A_598 : vector<16xf32>, vector<16xi1> -> vector<16xf32>
      %reduce_sum3A_600 = vector.extract %reduce_sum3A_599[15] : f32 from vector<16xf32>
      %eq3A_601 = arith.constant 8 : i32
      %eq3A_602 = vector.broadcast %eq3A_601 : i32 to vector<16xi32>
      %eq3A_603 = arith.cmpi eq, %iota3A, %eq3A_602 : vector<16xi32>
      %jit3A_604 = arith.constant 0.000000e+00 : f32
      %broadcast_in_dim3A_605 = vector.broadcast %reduce_sum3A_600 : f32 to vector<16xf32>
      %broadcast_in_dim3A_606 = vector.broadcast %jit3A_604 : f32 to vector<16xf32>
      %select_n3A_607 = arith.select %eq3A_603, %broadcast_in_dim3A_605, %broadcast_in_dim3A_606 : vector<16xi1>, vector<16xf32>
      %add3A_608 = arith.addf %add3A_562, %select_n3A_607 : vector<16xf32>
      %add3A_609 = arith.constant 9 : i32
      %add3A_610 = arith.addi %mul3A_199, %add3A_609 : i32
      %get3A_611 = arith.index_cast %add3A_610 : i32 to index
      %get3A_612 = arith.constant 0 : index
      %get3A_613 = tpu.vector_load %arg9[%get3A_611, %get3A_612] {strides = array<i32>} : memref<512x64xf32, #tpu.memory_space<vmem>>, vector<16xf32>,
      %get3A_614 = arith.index_cast %add3A_610 : i32 to index
      %get3A_615 = arith.constant 0 : index
      %get3A_616 = tpu.vector_load %arg10[%get3A_614, %get3A_615] {strides = array<i32>} : memref<512x64xf32, #tpu.memory_space<vmem>>, vector<16xf32>,
      %mul3A_617 = arith.mulf %get3A_613, %get3A_616 : vector<16xf32>
      %add3A_618 = arith.addf %broadcast_in_dim3A_184, %mul3A_617 : vector<16xf32>
      %get3A_619 = arith.index_cast %add3A_610 : i32 to index
      %get3A_620 = arith.constant 16 : index
      %get3A_621 = tpu.vector_load %arg9[%get3A_619, %get3A_620] {strides = array<i32>} : memref<512x64xf32, #tpu.memory_space<vmem>>, vector<16xf32>,
      %get3A_622 = arith.index_cast %add3A_610 : i32 to index
      %get3A_623 = arith.constant 16 : index
      %get3A_624 = tpu.vector_load %arg10[%get3A_622, %get3A_623] {strides = array<i32>} : memref<512x64xf32, #tpu.memory_space<vmem>>, vector<16xf32>,
      %mul3A_625 = arith.mulf %get3A_621, %get3A_624 : vector<16xf32>
      %add3A_626 = arith.addf %add3A_618, %mul3A_625 : vector<16xf32>
      %get3A_627 = arith.index_cast %add3A_610 : i32 to index
      %get3A_628 = arith.constant 32 : index
      %get3A_629 = tpu.vector_load %arg9[%get3A_627, %get3A_628] {strides = array<i32>} : memref<512x64xf32, #tpu.memory_space<vmem>>, vector<16xf32>,
      %get3A_630 = arith.index_cast %add3A_610 : i32 to index
      %get3A_631 = arith.constant 32 : index
      %get3A_632 = tpu.vector_load %arg10[%get3A_630, %get3A_631] {strides = array<i32>} : memref<512x64xf32, #tpu.memory_space<vmem>>, vector<16xf32>,
      %mul3A_633 = arith.mulf %get3A_629, %get3A_632 : vector<16xf32>
      %add3A_634 = arith.addf %add3A_626, %mul3A_633 : vector<16xf32>
      %get3A_635 = arith.index_cast %add3A_610 : i32 to index
      %get3A_636 = arith.constant 48 : index
      %get3A_637 = tpu.vector_load %arg9[%get3A_635, %get3A_636] {strides = array<i32>} : memref<512x64xf32, #tpu.memory_space<vmem>>, vector<16xf32>,
      %get3A_638 = arith.index_cast %add3A_610 : i32 to index
      %get3A_639 = arith.constant 48 : index
      %get3A_640 = tpu.vector_load %arg10[%get3A_638, %get3A_639] {strides = array<i32>} : memref<512x64xf32, #tpu.memory_space<vmem>>, vector<16xf32>,
      %mul3A_641 = arith.mulf %get3A_637, %get3A_640 : vector<16xf32>
      %add3A_642 = arith.addf %add3A_634, %mul3A_641 : vector<16xf32>
      %reduce_sum3A_643 = arith.constant true
      %reduce_sum3A_644 = vector.broadcast %reduce_sum3A_643 : i1 to vector<16xi1>
      %reduce_sum3A_645 = tpu.scan <sum>, %add3A_642 masked %reduce_sum3A_644 : vector<16xf32>, vector<16xi1> -> vector<16xf32>
      %reduce_sum3A_646 = vector.extract %reduce_sum3A_645[15] : f32 from vector<16xf32>
      %eq3A_647 = arith.constant 9 : i32
      %eq3A_648 = vector.broadcast %eq3A_647 : i32 to vector<16xi32>
      %eq3A_649 = arith.cmpi eq, %iota3A, %eq3A_648 : vector<16xi32>
      %jit3A_650 = arith.constant 0.000000e+00 : f32
      %broadcast_in_dim3A_651 = vector.broadcast %reduce_sum3A_646 : f32 to vector<16xf32>
      %broadcast_in_dim3A_652 = vector.broadcast %jit3A_650 : f32 to vector<16xf32>
      %select_n3A_653 = arith.select %eq3A_649, %broadcast_in_dim3A_651, %broadcast_in_dim3A_652 : vector<16xi1>, vector<16xf32>
      %add3A_654 = arith.addf %add3A_608, %select_n3A_653 : vector<16xf32>
      %add3A_655 = arith.constant 10 : i32
      %add3A_656 = arith.addi %mul3A_199, %add3A_655 : i32
      %get3A_657 = arith.index_cast %add3A_656 : i32 to index
      %get3A_658 = arith.constant 0 : index
      %get3A_659 = tpu.vector_load %arg9[%get3A_657, %get3A_658] {strides = array<i32>} : memref<512x64xf32, #tpu.memory_space<vmem>>, vector<16xf32>,
      %get3A_660 = arith.index_cast %add3A_656 : i32 to index
      %get3A_661 = arith.constant 0 : index
      %get3A_662 = tpu.vector_load %arg10[%get3A_660, %get3A_661] {strides = array<i32>} : memref<512x64xf32, #tpu.memory_space<vmem>>, vector<16xf32>,
      %mul3A_663 = arith.mulf %get3A_659, %get3A_662 : vector<16xf32>
      %add3A_664 = arith.addf %broadcast_in_dim3A_184, %mul3A_663 : vector<16xf32>
      %get3A_665 = arith.index_cast %add3A_656 : i32 to index
      %get3A_666 = arith.constant 16 : index
      %get3A_667 = tpu.vector_load %arg9[%get3A_665, %get3A_666] {strides = array<i32>} : memref<512x64xf32, #tpu.memory_space<vmem>>, vector<16xf32>,
      %get3A_668 = arith.index_cast %add3A_656 : i32 to index
      %get3A_669 = arith.constant 16 : index
      %get3A_670 = tpu.vector_load %arg10[%get3A_668, %get3A_669] {strides = array<i32>} : memref<512x64xf32, #tpu.memory_space<vmem>>, vector<16xf32>,
      %mul3A_671 = arith.mulf %get3A_667, %get3A_670 : vector<16xf32>
      %add3A_672 = arith.addf %add3A_664, %mul3A_671 : vector<16xf32>
      %get3A_673 = arith.index_cast %add3A_656 : i32 to index
      %get3A_674 = arith.constant 32 : index
      %get3A_675 = tpu.vector_load %arg9[%get3A_673, %get3A_674] {strides = array<i32>} : memref<512x64xf32, #tpu.memory_space<vmem>>, vector<16xf32>,
      %get3A_676 = arith.index_cast %add3A_656 : i32 to index
      %get3A_677 = arith.constant 32 : index
      %get3A_678 = tpu.vector_load %arg10[%get3A_676, %get3A_677] {strides = array<i32>} : memref<512x64xf32, #tpu.memory_space<vmem>>, vector<16xf32>,
      %mul3A_679 = arith.mulf %get3A_675, %get3A_678 : vector<16xf32>
      %add3A_680 = arith.addf %add3A_672, %mul3A_679 : vector<16xf32>
      %get3A_681 = arith.index_cast %add3A_656 : i32 to index
      %get3A_682 = arith.constant 48 : index
      %get3A_683 = tpu.vector_load %arg9[%get3A_681, %get3A_682] {strides = array<i32>} : memref<512x64xf32, #tpu.memory_space<vmem>>, vector<16xf32>,
      %get3A_684 = arith.index_cast %add3A_656 : i32 to index
      %get3A_685 = arith.constant 48 : index
      %get3A_686 = tpu.vector_load %arg10[%get3A_684, %get3A_685] {strides = array<i32>} : memref<512x64xf32, #tpu.memory_space<vmem>>, vector<16xf32>,
      %mul3A_687 = arith.mulf %get3A_683, %get3A_686 : vector<16xf32>
      %add3A_688 = arith.addf %add3A_680, %mul3A_687 : vector<16xf32>
      %reduce_sum3A_689 = arith.constant true
      %reduce_sum3A_690 = vector.broadcast %reduce_sum3A_689 : i1 to vector<16xi1>
      %reduce_sum3A_691 = tpu.scan <sum>, %add3A_688 masked %reduce_sum3A_690 : vector<16xf32>, vector<16xi1> -> vector<16xf32>
      %reduce_sum3A_692 = vector.extract %reduce_sum3A_691[15] : f32 from vector<16xf32>
      %eq3A_693 = arith.constant 10 : i32
      %eq3A_694 = vector.broadcast %eq3A_693 : i32 to vector<16xi32>
      %eq3A_695 = arith.cmpi eq, %iota3A, %eq3A_694 : vector<16xi32>
      %jit3A_696 = arith.constant 0.000000e+00 : f32
      %broadcast_in_dim3A_697 = vector.broadcast %reduce_sum3A_692 : f32 to vector<16xf32>
      %broadcast_in_dim3A_698 = vector.broadcast %jit3A_696 : f32 to vector<16xf32>
      %select_n3A_699 = arith.select %eq3A_695, %broadcast_in_dim3A_697, %broadcast_in_dim3A_698 : vector<16xi1>, vector<16xf32>
      %add3A_700 = arith.addf %add3A_654, %select_n3A_699 : vector<16xf32>
      %add3A_701 = arith.constant 11 : i32
      %add3A_702 = arith.addi %mul3A_199, %add3A_701 : i32
      %get3A_703 = arith.index_cast %add3A_702 : i32 to index
      %get3A_704 = arith.constant 0 : index
      %get3A_705 = tpu.vector_load %arg9[%get3A_703, %get3A_704] {strides = array<i32>} : memref<512x64xf32, #tpu.memory_space<vmem>>, vector<16xf32>,
      %get3A_706 = arith.index_cast %add3A_702 : i32 to index
      %get3A_707 = arith.constant 0 : index
      %get3A_708 = tpu.vector_load %arg10[%get3A_706, %get3A_707] {strides = array<i32>} : memref<512x64xf32, #tpu.memory_space<vmem>>, vector<16xf32>,
      %mul3A_709 = arith.mulf %get3A_705, %get3A_708 : vector<16xf32>
      %add3A_710 = arith.addf %broadcast_in_dim3A_184, %mul3A_709 : vector<16xf32>
      %get3A_711 = arith.index_cast %add3A_702 : i32 to index
      %get3A_712 = arith.constant 16 : index
      %get3A_713 = tpu.vector_load %arg9[%get3A_711, %get3A_712] {strides = array<i32>} : memref<512x64xf32, #tpu.memory_space<vmem>>, vector<16xf32>,
      %get3A_714 = arith.index_cast %add3A_702 : i32 to index
      %get3A_715 = arith.constant 16 : index
      %get3A_716 = tpu.vector_load %arg10[%get3A_714, %get3A_715] {strides = array<i32>} : memref<512x64xf32, #tpu.memory_space<vmem>>, vector<16xf32>,
      %mul3A_717 = arith.mulf %get3A_713, %get3A_716 : vector<16xf32>
      %add3A_718 = arith.addf %add3A_710, %mul3A_717 : vector<16xf32>
      %get3A_719 = arith.index_cast %add3A_702 : i32 to index
      %get3A_720 = arith.constant 32 : index
      %get3A_721 = tpu.vector_load %arg9[%get3A_719, %get3A_720] {strides = array<i32>} : memref<512x64xf32, #tpu.memory_space<vmem>>, vector<16xf32>,
      %get3A_722 = arith.index_cast %add3A_702 : i32 to index
      %get3A_723 = arith.constant 32 : index
      %get3A_724 = tpu.vector_load %arg10[%get3A_722, %get3A_723] {strides = array<i32>} : memref<512x64xf32, #tpu.memory_space<vmem>>, vector<16xf32>,
      %mul3A_725 = arith.mulf %get3A_721, %get3A_724 : vector<16xf32>
      %add3A_726 = arith.addf %add3A_718, %mul3A_725 : vector<16xf32>
      %get3A_727 = arith.index_cast %add3A_702 : i32 to index
      %get3A_728 = arith.constant 48 : index
      %get3A_729 = tpu.vector_load %arg9[%get3A_727, %get3A_728] {strides = array<i32>} : memref<512x64xf32, #tpu.memory_space<vmem>>, vector<16xf32>,
      %get3A_730 = arith.index_cast %add3A_702 : i32 to index
      %get3A_731 = arith.constant 48 : index
      %get3A_732 = tpu.vector_load %arg10[%get3A_730, %get3A_731] {strides = array<i32>} : memref<512x64xf32, #tpu.memory_space<vmem>>, vector<16xf32>,
      %mul3A_733 = arith.mulf %get3A_729, %get3A_732 : vector<16xf32>
      %add3A_734 = arith.addf %add3A_726, %mul3A_733 : vector<16xf32>
      %reduce_sum3A_735 = arith.constant true
      %reduce_sum3A_736 = vector.broadcast %reduce_sum3A_735 : i1 to vector<16xi1>
      %reduce_sum3A_737 = tpu.scan <sum>, %add3A_734 masked %reduce_sum3A_736 : vector<16xf32>, vector<16xi1> -> vector<16xf32>
      %reduce_sum3A_738 = vector.extract %reduce_sum3A_737[15] : f32 from vector<16xf32>
      %eq3A_739 = arith.constant 11 : i32
      %eq3A_740 = vector.broadcast %eq3A_739 : i32 to vector<16xi32>
      %eq3A_741 = arith.cmpi eq, %iota3A, %eq3A_740 : vector<16xi32>
      %jit3A_742 = arith.constant 0.000000e+00 : f32
      %broadcast_in_dim3A_743 = vector.broadcast %reduce_sum3A_738 : f32 to vector<16xf32>
      %broadcast_in_dim3A_744 = vector.broadcast %jit3A_742 : f32 to vector<16xf32>
      %select_n3A_745 = arith.select %eq3A_741, %broadcast_in_dim3A_743, %broadcast_in_dim3A_744 : vector<16xi1>, vector<16xf32>
      %add3A_746 = arith.addf %add3A_700, %select_n3A_745 : vector<16xf32>
      %add3A_747 = arith.constant 12 : i32
      %add3A_748 = arith.addi %mul3A_199, %add3A_747 : i32
      %get3A_749 = arith.index_cast %add3A_748 : i32 to index
      %get3A_750 = arith.constant 0 : index
      %get3A_751 = tpu.vector_load %arg9[%get3A_749, %get3A_750] {strides = array<i32>} : memref<512x64xf32, #tpu.memory_space<vmem>>, vector<16xf32>,
      %get3A_752 = arith.index_cast %add3A_748 : i32 to index
      %get3A_753 = arith.constant 0 : index
      %get3A_754 = tpu.vector_load %arg10[%get3A_752, %get3A_753] {strides = array<i32>} : memref<512x64xf32, #tpu.memory_space<vmem>>, vector<16xf32>,
      %mul3A_755 = arith.mulf %get3A_751, %get3A_754 : vector<16xf32>
      %add3A_756 = arith.addf %broadcast_in_dim3A_184, %mul3A_755 : vector<16xf32>
      %get3A_757 = arith.index_cast %add3A_748 : i32 to index
      %get3A_758 = arith.constant 16 : index
      %get3A_759 = tpu.vector_load %arg9[%get3A_757, %get3A_758] {strides = array<i32>} : memref<512x64xf32, #tpu.memory_space<vmem>>, vector<16xf32>,
      %get3A_760 = arith.index_cast %add3A_748 : i32 to index
      %get3A_761 = arith.constant 16 : index
      %get3A_762 = tpu.vector_load %arg10[%get3A_760, %get3A_761] {strides = array<i32>} : memref<512x64xf32, #tpu.memory_space<vmem>>, vector<16xf32>,
      %mul3A_763 = arith.mulf %get3A_759, %get3A_762 : vector<16xf32>
      %add3A_764 = arith.addf %add3A_756, %mul3A_763 : vector<16xf32>
      %get3A_765 = arith.index_cast %add3A_748 : i32 to index
      %get3A_766 = arith.constant 32 : index
      %get3A_767 = tpu.vector_load %arg9[%get3A_765, %get3A_766] {strides = array<i32>} : memref<512x64xf32, #tpu.memory_space<vmem>>, vector<16xf32>,
      %get3A_768 = arith.index_cast %add3A_748 : i32 to index
      %get3A_769 = arith.constant 32 : index
      %get3A_770 = tpu.vector_load %arg10[%get3A_768, %get3A_769] {strides = array<i32>} : memref<512x64xf32, #tpu.memory_space<vmem>>, vector<16xf32>,
      %mul3A_771 = arith.mulf %get3A_767, %get3A_770 : vector<16xf32>
      %add3A_772 = arith.addf %add3A_764, %mul3A_771 : vector<16xf32>
      %get3A_773 = arith.index_cast %add3A_748 : i32 to index
      %get3A_774 = arith.constant 48 : index
      %get3A_775 = tpu.vector_load %arg9[%get3A_773, %get3A_774] {strides = array<i32>} : memref<512x64xf32, #tpu.memory_space<vmem>>, vector<16xf32>,
      %get3A_776 = arith.index_cast %add3A_748 : i32 to index
      %get3A_777 = arith.constant 48 : index
      %get3A_778 = tpu.vector_load %arg10[%get3A_776, %get3A_777] {strides = array<i32>} : memref<512x64xf32, #tpu.memory_space<vmem>>, vector<16xf32>,
      %mul3A_779 = arith.mulf %get3A_775, %get3A_778 : vector<16xf32>
      %add3A_780 = arith.addf %add3A_772, %mul3A_779 : vector<16xf32>
      %reduce_sum3A_781 = arith.constant true
      %reduce_sum3A_782 = vector.broadcast %reduce_sum3A_781 : i1 to vector<16xi1>
      %reduce_sum3A_783 = tpu.scan <sum>, %add3A_780 masked %reduce_sum3A_782 : vector<16xf32>, vector<16xi1> -> vector<16xf32>
      %reduce_sum3A_784 = vector.extract %reduce_sum3A_783[15] : f32 from vector<16xf32>
      %eq3A_785 = arith.constant 12 : i32
      %eq3A_786 = vector.broadcast %eq3A_785 : i32 to vector<16xi32>
      %eq3A_787 = arith.cmpi eq, %iota3A, %eq3A_786 : vector<16xi32>
      %jit3A_788 = arith.constant 0.000000e+00 : f32
      %broadcast_in_dim3A_789 = vector.broadcast %reduce_sum3A_784 : f32 to vector<16xf32>
      %broadcast_in_dim3A_790 = vector.broadcast %jit3A_788 : f32 to vector<16xf32>
      %select_n3A_791 = arith.select %eq3A_787, %broadcast_in_dim3A_789, %broadcast_in_dim3A_790 : vector<16xi1>, vector<16xf32>
      %add3A_792 = arith.addf %add3A_746, %select_n3A_791 : vector<16xf32>
      %add3A_793 = arith.constant 13 : i32
      %add3A_794 = arith.addi %mul3A_199, %add3A_793 : i32
      %get3A_795 = arith.index_cast %add3A_794 : i32 to index
      %get3A_796 = arith.constant 0 : index
      %get3A_797 = tpu.vector_load %arg9[%get3A_795, %get3A_796] {strides = array<i32>} : memref<512x64xf32, #tpu.memory_space<vmem>>, vector<16xf32>,
      %get3A_798 = arith.index_cast %add3A_794 : i32 to index
      %get3A_799 = arith.constant 0 : index
      %get3A_800 = tpu.vector_load %arg10[%get3A_798, %get3A_799] {strides = array<i32>} : memref<512x64xf32, #tpu.memory_space<vmem>>, vector<16xf32>,
      %mul3A_801 = arith.mulf %get3A_797, %get3A_800 : vector<16xf32>
      %add3A_802 = arith.addf %broadcast_in_dim3A_184, %mul3A_801 : vector<16xf32>
      %get3A_803 = arith.index_cast %add3A_794 : i32 to index
      %get3A_804 = arith.constant 16 : index
      %get3A_805 = tpu.vector_load %arg9[%get3A_803, %get3A_804] {strides = array<i32>} : memref<512x64xf32, #tpu.memory_space<vmem>>, vector<16xf32>,
      %get3A_806 = arith.index_cast %add3A_794 : i32 to index
      %get3A_807 = arith.constant 16 : index
      %get3A_808 = tpu.vector_load %arg10[%get3A_806, %get3A_807] {strides = array<i32>} : memref<512x64xf32, #tpu.memory_space<vmem>>, vector<16xf32>,
      %mul3A_809 = arith.mulf %get3A_805, %get3A_808 : vector<16xf32>
      %add3A_810 = arith.addf %add3A_802, %mul3A_809 : vector<16xf32>
      %get3A_811 = arith.index_cast %add3A_794 : i32 to index
      %get3A_812 = arith.constant 32 : index
      %get3A_813 = tpu.vector_load %arg9[%get3A_811, %get3A_812] {strides = array<i32>} : memref<512x64xf32, #tpu.memory_space<vmem>>, vector<16xf32>,
      %get3A_814 = arith.index_cast %add3A_794 : i32 to index
      %get3A_815 = arith.constant 32 : index
      %get3A_816 = tpu.vector_load %arg10[%get3A_814, %get3A_815] {strides = array<i32>} : memref<512x64xf32, #tpu.memory_space<vmem>>, vector<16xf32>,
      %mul3A_817 = arith.mulf %get3A_813, %get3A_816 : vector<16xf32>
      %add3A_818 = arith.addf %add3A_810, %mul3A_817 : vector<16xf32>
      %get3A_819 = arith.index_cast %add3A_794 : i32 to index
      %get3A_820 = arith.constant 48 : index
      %get3A_821 = tpu.vector_load %arg9[%get3A_819, %get3A_820] {strides = array<i32>} : memref<512x64xf32, #tpu.memory_space<vmem>>, vector<16xf32>,
      %get3A_822 = arith.index_cast %add3A_794 : i32 to index
      %get3A_823 = arith.constant 48 : index
      %get3A_824 = tpu.vector_load %arg10[%get3A_822, %get3A_823] {strides = array<i32>} : memref<512x64xf32, #tpu.memory_space<vmem>>, vector<16xf32>,
      %mul3A_825 = arith.mulf %get3A_821, %get3A_824 : vector<16xf32>
      %add3A_826 = arith.addf %add3A_818, %mul3A_825 : vector<16xf32>
      %reduce_sum3A_827 = arith.constant true
      %reduce_sum3A_828 = vector.broadcast %reduce_sum3A_827 : i1 to vector<16xi1>
      %reduce_sum3A_829 = tpu.scan <sum>, %add3A_826 masked %reduce_sum3A_828 : vector<16xf32>, vector<16xi1> -> vector<16xf32>
      %reduce_sum3A_830 = vector.extract %reduce_sum3A_829[15] : f32 from vector<16xf32>
      %eq3A_831 = arith.constant 13 : i32
      %eq3A_832 = vector.broadcast %eq3A_831 : i32 to vector<16xi32>
      %eq3A_833 = arith.cmpi eq, %iota3A, %eq3A_832 : vector<16xi32>
      %jit3A_834 = arith.constant 0.000000e+00 : f32
      %broadcast_in_dim3A_835 = vector.broadcast %reduce_sum3A_830 : f32 to vector<16xf32>
      %broadcast_in_dim3A_836 = vector.broadcast %jit3A_834 : f32 to vector<16xf32>
      %select_n3A_837 = arith.select %eq3A_833, %broadcast_in_dim3A_835, %broadcast_in_dim3A_836 : vector<16xi1>, vector<16xf32>
      %add3A_838 = arith.addf %add3A_792, %select_n3A_837 : vector<16xf32>
      %add3A_839 = arith.constant 14 : i32
      %add3A_840 = arith.addi %mul3A_199, %add3A_839 : i32
      %get3A_841 = arith.index_cast %add3A_840 : i32 to index
      %get3A_842 = arith.constant 0 : index
      %get3A_843 = tpu.vector_load %arg9[%get3A_841, %get3A_842] {strides = array<i32>} : memref<512x64xf32, #tpu.memory_space<vmem>>, vector<16xf32>,
      %get3A_844 = arith.index_cast %add3A_840 : i32 to index
      %get3A_845 = arith.constant 0 : index
      %get3A_846 = tpu.vector_load %arg10[%get3A_844, %get3A_845] {strides = array<i32>} : memref<512x64xf32, #tpu.memory_space<vmem>>, vector<16xf32>,
      %mul3A_847 = arith.mulf %get3A_843, %get3A_846 : vector<16xf32>
      %add3A_848 = arith.addf %broadcast_in_dim3A_184, %mul3A_847 : vector<16xf32>
      %get3A_849 = arith.index_cast %add3A_840 : i32 to index
      %get3A_850 = arith.constant 16 : index
      %get3A_851 = tpu.vector_load %arg9[%get3A_849, %get3A_850] {strides = array<i32>} : memref<512x64xf32, #tpu.memory_space<vmem>>, vector<16xf32>,
      %get3A_852 = arith.index_cast %add3A_840 : i32 to index
      %get3A_853 = arith.constant 16 : index
      %get3A_854 = tpu.vector_load %arg10[%get3A_852, %get3A_853] {strides = array<i32>} : memref<512x64xf32, #tpu.memory_space<vmem>>, vector<16xf32>,
      %mul3A_855 = arith.mulf %get3A_851, %get3A_854 : vector<16xf32>
      %add3A_856 = arith.addf %add3A_848, %mul3A_855 : vector<16xf32>
      %get3A_857 = arith.index_cast %add3A_840 : i32 to index
      %get3A_858 = arith.constant 32 : index
      %get3A_859 = tpu.vector_load %arg9[%get3A_857, %get3A_858] {strides = array<i32>} : memref<512x64xf32, #tpu.memory_space<vmem>>, vector<16xf32>,
      %get3A_860 = arith.index_cast %add3A_840 : i32 to index
      %get3A_861 = arith.constant 32 : index
      %get3A_862 = tpu.vector_load %arg10[%get3A_860, %get3A_861] {strides = array<i32>} : memref<512x64xf32, #tpu.memory_space<vmem>>, vector<16xf32>,
      %mul3A_863 = arith.mulf %get3A_859, %get3A_862 : vector<16xf32>
      %add3A_864 = arith.addf %add3A_856, %mul3A_863 : vector<16xf32>
      %get3A_865 = arith.index_cast %add3A_840 : i32 to index
      %get3A_866 = arith.constant 48 : index
      %get3A_867 = tpu.vector_load %arg9[%get3A_865, %get3A_866] {strides = array<i32>} : memref<512x64xf32, #tpu.memory_space<vmem>>, vector<16xf32>,
      %get3A_868 = arith.index_cast %add3A_840 : i32 to index
      %get3A_869 = arith.constant 48 : index
      %get3A_870 = tpu.vector_load %arg10[%get3A_868, %get3A_869] {strides = array<i32>} : memref<512x64xf32, #tpu.memory_space<vmem>>, vector<16xf32>,
      %mul3A_871 = arith.mulf %get3A_867, %get3A_870 : vector<16xf32>
      %add3A_872 = arith.addf %add3A_864, %mul3A_871 : vector<16xf32>
      %reduce_sum3A_873 = arith.constant true
      %reduce_sum3A_874 = vector.broadcast %reduce_sum3A_873 : i1 to vector<16xi1>
      %reduce_sum3A_875 = tpu.scan <sum>, %add3A_872 masked %reduce_sum3A_874 : vector<16xf32>, vector<16xi1> -> vector<16xf32>
      %reduce_sum3A_876 = vector.extract %reduce_sum3A_875[15] : f32 from vector<16xf32>
      %eq3A_877 = arith.constant 14 : i32
      %eq3A_878 = vector.broadcast %eq3A_877 : i32 to vector<16xi32>
      %eq3A_879 = arith.cmpi eq, %iota3A, %eq3A_878 : vector<16xi32>
      %jit3A_880 = arith.constant 0.000000e+00 : f32
      %broadcast_in_dim3A_881 = vector.broadcast %reduce_sum3A_876 : f32 to vector<16xf32>
      %broadcast_in_dim3A_882 = vector.broadcast %jit3A_880 : f32 to vector<16xf32>
      %select_n3A_883 = arith.select %eq3A_879, %broadcast_in_dim3A_881, %broadcast_in_dim3A_882 : vector<16xi1>, vector<16xf32>
      %add3A_884 = arith.addf %add3A_838, %select_n3A_883 : vector<16xf32>
      %add3A_885 = arith.constant 15 : i32
      %add3A_886 = arith.addi %mul3A_199, %add3A_885 : i32
      %get3A_887 = arith.index_cast %add3A_886 : i32 to index
      %get3A_888 = arith.constant 0 : index
      %get3A_889 = tpu.vector_load %arg9[%get3A_887, %get3A_888] {strides = array<i32>} : memref<512x64xf32, #tpu.memory_space<vmem>>, vector<16xf32>,
      %get3A_890 = arith.index_cast %add3A_886 : i32 to index
      %get3A_891 = arith.constant 0 : index
      %get3A_892 = tpu.vector_load %arg10[%get3A_890, %get3A_891] {strides = array<i32>} : memref<512x64xf32, #tpu.memory_space<vmem>>, vector<16xf32>,
      %mul3A_893 = arith.mulf %get3A_889, %get3A_892 : vector<16xf32>
      %add3A_894 = arith.addf %broadcast_in_dim3A_184, %mul3A_893 : vector<16xf32>
      %get3A_895 = arith.index_cast %add3A_886 : i32 to index
      %get3A_896 = arith.constant 16 : index
      %get3A_897 = tpu.vector_load %arg9[%get3A_895, %get3A_896] {strides = array<i32>} : memref<512x64xf32, #tpu.memory_space<vmem>>, vector<16xf32>,
      %get3A_898 = arith.index_cast %add3A_886 : i32 to index
      %get3A_899 = arith.constant 16 : index
      %get3A_900 = tpu.vector_load %arg10[%get3A_898, %get3A_899] {strides = array<i32>} : memref<512x64xf32, #tpu.memory_space<vmem>>, vector<16xf32>,
      %mul3A_901 = arith.mulf %get3A_897, %get3A_900 : vector<16xf32>
      %add3A_902 = arith.addf %add3A_894, %mul3A_901 : vector<16xf32>
      %get3A_903 = arith.index_cast %add3A_886 : i32 to index
      %get3A_904 = arith.constant 32 : index
      %get3A_905 = tpu.vector_load %arg9[%get3A_903, %get3A_904] {strides = array<i32>} : memref<512x64xf32, #tpu.memory_space<vmem>>, vector<16xf32>,
      %get3A_906 = arith.index_cast %add3A_886 : i32 to index
      %get3A_907 = arith.constant 32 : index
      %get3A_908 = tpu.vector_load %arg10[%get3A_906, %get3A_907] {strides = array<i32>} : memref<512x64xf32, #tpu.memory_space<vmem>>, vector<16xf32>,
      %mul3A_909 = arith.mulf %get3A_905, %get3A_908 : vector<16xf32>
      %add3A_910 = arith.addf %add3A_902, %mul3A_909 : vector<16xf32>
      %get3A_911 = arith.index_cast %add3A_886 : i32 to index
      %get3A_912 = arith.constant 48 : index
      %get3A_913 = tpu.vector_load %arg9[%get3A_911, %get3A_912] {strides = array<i32>} : memref<512x64xf32, #tpu.memory_space<vmem>>, vector<16xf32>,
      %get3A_914 = arith.index_cast %add3A_886 : i32 to index
      %get3A_915 = arith.constant 48 : index
      %get3A_916 = tpu.vector_load %arg10[%get3A_914, %get3A_915] {strides = array<i32>} : memref<512x64xf32, #tpu.memory_space<vmem>>, vector<16xf32>,
      %mul3A_917 = arith.mulf %get3A_913, %get3A_916 : vector<16xf32>
      %add3A_918 = arith.addf %add3A_910, %mul3A_917 : vector<16xf32>
      %reduce_sum3A_919 = arith.constant true
      %reduce_sum3A_920 = vector.broadcast %reduce_sum3A_919 : i1 to vector<16xi1>
      %reduce_sum3A_921 = tpu.scan <sum>, %add3A_918 masked %reduce_sum3A_920 : vector<16xf32>, vector<16xi1> -> vector<16xf32>
      %reduce_sum3A_922 = vector.extract %reduce_sum3A_921[15] : f32 from vector<16xf32>
      %eq3A_923 = arith.constant 15 : i32
      %eq3A_924 = vector.broadcast %eq3A_923 : i32 to vector<16xi32>
      %eq3A_925 = arith.cmpi eq, %iota3A, %eq3A_924 : vector<16xi32>
      %jit3A_926 = arith.constant 0.000000e+00 : f32
      %broadcast_in_dim3A_927 = vector.broadcast %reduce_sum3A_922 : f32 to vector<16xf32>
      %broadcast_in_dim3A_928 = vector.broadcast %jit3A_926 : f32 to vector<16xf32>
      %select_n3A_929 = arith.select %eq3A_925, %broadcast_in_dim3A_927, %broadcast_in_dim3A_928 : vector<16xi1>, vector<16xf32>
      %add3A_930 = arith.addf %add3A_884, %select_n3A_929 : vector<16xf32>
      %add3A_931 = arith.addf %scan3A_196, %add3A_930 : vector<16xf32>
      %exp3A = math.exp %add3A_930 : vector<16xf32>
      %add3A_932 = arith.addf %scan3A_197, %exp3A : vector<16xf32>
      scf.yield %add3A_931, %add3A_932 : vector<16xf32>, vector<16xf32>
    }
    %scan3A_189 = arith.constant 32 : i32
    %swap3A = arith.constant 0 : index
    %swap3A_190 = tpu.vector_load %arg11[%swap3A] {strides = array<i32>} : memref<16xf32, #tpu.memory_space<vmem>>, vector<16xf32>,
    tpu.vector_store %arg11[%swap3A], %scan3A_188#0 {strides = array<i32>} : memref<16xf32, #tpu.memory_space<vmem>>, vector<16xf32>,
    %swap3A_191 = arith.constant 0 : index
    %swap3A_192 = tpu.vector_load %arg12[%swap3A_191] {strides = array<i32>} : memref<16xf32, #tpu.memory_space<vmem>>, vector<16xf32>,
    tpu.vector_store %arg12[%swap3A_191], %scan3A_188#1 {strides = array<i32>} : memref<16xf32, #tpu.memory_space<vmem>>, vector<16xf32>,
    "tpu.region"() ({
      %run_scoped3A_195 = tpu.sem_alloc : memref<!tpu.dma_semaphore, #tpu.memory_space<semaphore_mem>>
      %dma_start3A_196 = arith.constant 0 : i32
      %dma_start3A_197 = tpu.memref_slice %arg6[%add3A, %dma_start3A_196] : memref<64x16xf32, #tpu.memory_space<hbm>> -> memref<1x16xf32, #tpu.memory_space<hbm>>
      %dma_start3A_198 = tpu.memref_squeeze %dma_start3A_197 : memref<1x16xf32, #tpu.memory_space<hbm>> -> memref<16xf32, #tpu.memory_space<hbm>>
      %dma_start3A_199 = arith.constant 0 : i32
      %dma_start3A_200 = tpu.memref_slice %arg6[%add3A, %dma_start3A_199] : memref<64x16xf32, #tpu.memory_space<hbm>> -> memref<1x16xf32, #tpu.memory_space<hbm>>
      %dma_start3A_201 = tpu.memref_squeeze %dma_start3A_200 : memref<1x16xf32, #tpu.memory_space<hbm>> -> memref<16xf32, #tpu.memory_space<hbm>>
      tpu.enqueue_dma source(%arg11 : memref<16xf32, #tpu.memory_space<vmem>>) target(%dma_start3A_201 : memref<16xf32, #tpu.memory_space<hbm>>) target_semaphore(%run_scoped3A_195 : memref<!tpu.dma_semaphore, #tpu.memory_space<semaphore_mem>>)
      %dma_wait3A_202 = arith.constant 0 : i32
      %dma_wait3A_203 = tpu.memref_slice %arg6[%add3A, %dma_wait3A_202] : memref<64x16xf32, #tpu.memory_space<hbm>> -> memref<1x16xf32, #tpu.memory_space<hbm>>
      %dma_wait3A_204 = tpu.memref_squeeze %dma_wait3A_203 : memref<1x16xf32, #tpu.memory_space<hbm>> -> memref<16xf32, #tpu.memory_space<hbm>>
      %dma_wait3A_205 = arith.constant 0 : i32
      %dma_wait3A_206 = tpu.memref_slice %arg6[%add3A, %dma_wait3A_205] : memref<64x16xf32, #tpu.memory_space<hbm>> -> memref<1x16xf32, #tpu.memory_space<hbm>>
      %dma_wait3A_207 = tpu.memref_squeeze %dma_wait3A_206 : memref<1x16xf32, #tpu.memory_space<hbm>> -> memref<16xf32, #tpu.memory_space<hbm>>
      tpu.wait_dma2 semaphore(%run_scoped3A_195 : memref<!tpu.dma_semaphore, #tpu.memory_space<semaphore_mem>>) src(%arg11 : memref<16xf32, #tpu.memory_space<vmem>>) dst(%dma_wait3A_207 : memref<16xf32, #tpu.memory_space<hbm>>)
      tpu.yield
    }) : () -> ()
    %add3A_193 = arith.constant 32 : i32
    %add3A_194 = arith.addi %add3A_193, %add3A : i32
    "tpu.region"() ({
      %run_scoped3A_195 = tpu.sem_alloc : memref<!tpu.dma_semaphore, #tpu.memory_space<semaphore_mem>>
      %dma_start3A_196 = arith.constant 0 : i32
      %dma_start3A_197 = tpu.memref_slice %arg6[%add3A_194, %dma_start3A_196] : memref<64x16xf32, #tpu.memory_space<hbm>> -> memref<1x16xf32, #tpu.memory_space<hbm>>
      %dma_start3A_198 = tpu.memref_squeeze %dma_start3A_197 : memref<1x16xf32, #tpu.memory_space<hbm>> -> memref<16xf32, #tpu.memory_space<hbm>>
      %dma_start3A_199 = arith.constant 0 : i32
      %dma_start3A_200 = tpu.memref_slice %arg6[%add3A_194, %dma_start3A_199] : memref<64x16xf32, #tpu.memory_space<hbm>> -> memref<1x16xf32, #tpu.memory_space<hbm>>
      %dma_start3A_201 = tpu.memref_squeeze %dma_start3A_200 : memref<1x16xf32, #tpu.memory_space<hbm>> -> memref<16xf32, #tpu.memory_space<hbm>>
      tpu.enqueue_dma source(%arg12 : memref<16xf32, #tpu.memory_space<vmem>>) target(%dma_start3A_201 : memref<16xf32, #tpu.memory_space<hbm>>) target_semaphore(%run_scoped3A_195 : memref<!tpu.dma_semaphore, #tpu.memory_space<semaphore_mem>>)
      %dma_wait3A_202 = arith.constant 0 : i32
      %dma_wait3A_203 = tpu.memref_slice %arg6[%add3A_194, %dma_wait3A_202] : memref<64x16xf32, #tpu.memory_space<hbm>> -> memref<1x16xf32, #tpu.memory_space<hbm>>
      %dma_wait3A_204 = tpu.memref_squeeze %dma_wait3A_203 : memref<1x16xf32, #tpu.memory_space<hbm>> -> memref<16xf32, #tpu.memory_space<hbm>>
      %dma_wait3A_205 = arith.constant 0 : i32
      %dma_wait3A_206 = tpu.memref_slice %arg6[%add3A_194, %dma_wait3A_205] : memref<64x16xf32, #tpu.memory_space<hbm>> -> memref<1x16xf32, #tpu.memory_space<hbm>>
      %dma_wait3A_207 = tpu.memref_squeeze %dma_wait3A_206 : memref<1x16xf32, #tpu.memory_space<hbm>> -> memref<16xf32, #tpu.memory_space<hbm>>
      tpu.wait_dma2 semaphore(%run_scoped3A_195 : memref<!tpu.dma_semaphore, #tpu.memory_space<semaphore_mem>>) src(%arg12 : memref<16xf32, #tpu.memory_space<vmem>>) dst(%dma_wait3A_207 : memref<16xf32, #tpu.memory_space<hbm>>)
      tpu.yield
    }) : () -> ()
    return
  }
}

module attributes {stable_mosaic.version = 14 : i64} {
  func.func @_tc_finish(%arg0: memref<64x16xf32, #tpu.memory_space<vmem>>, %arg1: memref<1x1xf32, #tpu.memory_space<vmem>>) attributes {dimension_semantics = [], scalar_prefetch = 0 : i64, scratch_operands = 0 : i64, tpu.core_type = #tpu.core_type<tc>} {
    %get3A = arith.constant 0 : index
    %get3A_0 = arith.constant 0 : index
    %get3A_1 = vector.load %arg0[%get3A, %get3A_0] : memref<64x16xf32, #tpu.memory_space<vmem>>, vector<64x16xf32>
    %slice3A = vector.extract_strided_slice %get3A_1 {offsets = [0, 0], sizes = [32, 16], strides = [1, 1]} : vector<64x16xf32> to vector<32x16xf32>
    %reduce_sum3A = vector.shape_cast %slice3A : vector<32x16xf32> to vector<1x32x16xf32>
    %reduce_sum3A_2 = arith.constant dense<0.000000e+00> : vector<1xf32>
    %reduce_sum3A_3 = vector.multi_reduction <add>, %reduce_sum3A, %reduce_sum3A_2 [1, 2] : vector<1x32x16xf32> to vector<1xf32>
    %reduce_sum3A_4 = vector.shape_cast %reduce_sum3A_3 : vector<1xf32> to vector<1x1x1xf32>
    %reduce_sum3A_5 = vector.extract %reduce_sum3A_4[0, 0, 0] : f32 from vector<1x1x1xf32>
    %slice3A_6 = vector.extract_strided_slice %get3A_1 {offsets = [32, 0], sizes = [32, 16], strides = [1, 1]} : vector<64x16xf32> to vector<32x16xf32>
    %reduce_sum3A_7 = vector.shape_cast %slice3A_6 : vector<32x16xf32> to vector<1x32x16xf32>
    %reduce_sum3A_8 = arith.constant dense<0.000000e+00> : vector<1xf32>
    %reduce_sum3A_9 = vector.multi_reduction <add>, %reduce_sum3A_7, %reduce_sum3A_8 [1, 2] : vector<1x32x16xf32> to vector<1xf32>
    %reduce_sum3A_10 = vector.shape_cast %reduce_sum3A_9 : vector<1xf32> to vector<1x1x1xf32>
    %reduce_sum3A_11 = vector.extract %reduce_sum3A_10[0, 0, 0] : f32 from vector<1x1x1xf32>
    %log3A = math.log %reduce_sum3A_11 : f32
    %mul3A = arith.constant 1.638400e+04 : f32
    %mul3A_12 = arith.mulf %mul3A, %log3A : f32
    %sub3A = arith.subf %mul3A_12, %reduce_sum3A_5 : f32
    %reshape3A = vector.broadcast %sub3A : f32 to vector<1x1xf32>
    %swap3A = arith.constant 0 : index
    %swap3A_13 = arith.constant 0 : index
    %swap3A_14 = vector.load %arg1[%swap3A, %swap3A_13] : memref<1x1xf32, #tpu.memory_space<vmem>>, vector<1x1xf32>
    tpu.vector_store %arg1[%swap3A, %swap3A_13], %reshape3A {strides = array<i32>} : memref<1x1xf32, #tpu.memory_space<vmem>>, vector<1x1xf32>,
    return
  }
}

</mosaic_0001>

<sc_bundles>
// kernel: kernel.4.cloned.1.call-start
scs
__scs_entry_jumppad:
0x0: {  	(pc) =	sbr.rel $0x88, $3  }
0x1: {  	(tag) =	ssettag $0x0;
	lr =	simm.s32 $0x1  }
0x2: {  	[smem:$0x3F9D] =	sst lr;
	_ =	strace $0xD0000000  }
0x3: {  	_ = 	snop  }
0x4: {  	_ = 	snop  }
0x5: {  	_ = 	snop  }
0x6: {  	_ = 	snop  }
0x7: {  	_ = 	snop  }
__scs_overlays_trampoline_lowered:
0x8: {  	[smem:$0x3FAC] =	sst s0  }
0x9: {  	[smem:$0x3FAD] =	sst s1  }
0xa: {  	[smem:$0x3FAE] =	sst s2  }
0xb: {  	[smem:$0x3FAF] =	sst s3  }
0xc: {  	[smem:$0x3FB0] =	sst s4  }
0xd: {  	[smem:$0x3FB1] =	sst s5  }
0xe: {  	[smem:$0x3FB2] =	sst s6  }
0xf: {  	[smem:$0x3FB3] =	sst s7  }
0x10: {  	[smem:$0x3FB4] =	sst s8  }
0x11: {  	[smem:$0x3FB5] =	sst s9;
	s0 =	simm.s32 @!p0 $0x0  }
0x12: {  	s1 =	sld [smem:$0x3F9B];
	s0 =	simm.s32 @p0 $0x1  }
0x13: {  	[smem:$0x3FB6] =	sst s0;
	s0 =	simm.s32 @!p1 $0x0  }
0x14: {  	s2 =	sld [smem:$0x3F9A];
	s0 =	simm.s32 @p1 $0x1  }
0x15: {  	[smem:$0x3FB7] =	sst s0;
	s0 =	simm.s32 @!p2 $0x0  }
0x16: {  	s3 =	sld [smem:$0x3FDB];
	s0 =	simm.s32 @p2 $0x1  }
0x17: {  	s4 =	simm.s32 $0x1BF5;
	[smem:$0x3FB9] =	sst s0  }
0x18: {  	s0 =	sld [smem:$0x3F9C];
	_ =	swait.ge [sflag:s4], $0x0  }
0x19: {  	s7 =	sld [smem:$0x3F9D]  }
0x1a: {  	s8 =	sadd.s32 $0xFFFFE003, lr  }
0x1b: {  	s9 =	sadd.s32 $0xFFFFFEF7, lr;
	s5 =	simm.s32 $0xFFFFFFFF;
	p2 =	slt.u32 s8, $0xFFFFF086  }
0x1c: {  	p1 =	slt.u32 s9, $0xF7A;
	s5 =	simm.s32 @!p2 $0x0  }
0x1d: {  	s5 =	simm.s32 @p1 $0x1;
	p0 =	seq.s32 s7, s2  }
0x1e: {  	s7 =	smul.u32 @!p0 $0xF7A, s2;
	p2 =	seq.s32 @!p0 s5, $0x0  }
0x1f: {  	s9 =	smul.u32 $0xF7A, s1;
	s8 =	simm.s32 @!p0 $0x1BF5;
	p2 =	por !p2, p0  }
0x20: {  	[sflag:s8] =	ssyncset.s32 @!p0 $0xFFFFF086;
	s6 =	sadd.s32 @!p0 s3, s7;
	s7 =	simm.s32 @!p0 $0x108  }
0x21: {  	s3 =	sadd.s32 s3, s9;
	s6 =	sadd.s32 @!p0 $0x88, s6;
	s7 =	simm.s32 @p2 $0x1082  }
0x22: {  	[simem:s7], [sflag:s8] =	dma.local @!p0 [hbm:s6], $0xF7A  }
0x23: {  	s9 =	sor.u32 $0xD0000000, s2;
	s6 =	simm.s32 $0x108;
	_ =	swait.ge @!p0 [sflag:s8], $0x0  }
0x24: {  	s3 =	sadd.s32 $0x88, s3;
	s6 =	simm.s32 @!p1 $0x1082;
	[sflag:s4] =	ssyncset.s32 $0xFFFFF086  }
0x25: {  	[simem:s6], [sflag:s4] =	dma.local [hbm:s3], $0xF7A  }
0x26: {  	[smem:$0x3F9D] =	sst s1;
	(tag) =	ssettag s2;
	_ =	strace s9  }
0x27: {  	s1 =	sld [smem:$0x3FAD]  }
0x28: {  	s2 =	sld [smem:$0x3FAE]  }
0x29: {  	s4 =	sld [smem:$0x3FB0]  }
0x2a: {  	p0 =	seq.s32 s5, $0x0;
	s5 =	sld [smem:$0x3FB1]  }
0x2b: {  	s6 =	sld [smem:$0x3FB2]  }
0x2c: {  	s7 =	sld [smem:$0x3FB3]  }
0x2d: {  	s3 =	simm.s32 $0x108;
	s8 =	sld [smem:$0x3FB4]  }
0x2e: {  	s3 =	simm.s32 @!p0 $0x1082;
	s9 =	sld [smem:$0x3FB5]  }
0x2f: {  	lr =	sadd.s32 s0, s3;
	s0 =	sld [smem:$0x3FAC]  }
0x30: {  	s3 =	sld [smem:$0x3FAF]  }
0x31: {  	[smem:$0x3FB8] =	sst s10  }
0x32: {  	s10 =	sld [smem:$0x3FB6];
	_ =	sdelay $0x3  }
0x33: {  	p0 =	seq.s32 s10, $0x1;
	s10 =	sld [smem:$0x3FB8];
	_ =	sdelay $0x3  }
0x34: {  	[smem:$0x3FB8] =	sst s10  }
0x35: {  	s10 =	sld [smem:$0x3FB7];
	_ =	sdelay $0x3  }
0x36: {  	p1 =	seq.s32 s10, $0x1;
	s10 =	sld [smem:$0x3FB8];
	_ =	sdelay $0x3  }
0x37: {  	[smem:$0x3FB8] =	sst s10  }
0x38: {  	s10 =	sld [smem:$0x3FB9]  }
0x39: {  	_ = 	snop;
	(pc) =	sbr.ind lr, $3  }
0x3a: {  	_ = 	snop  }
0x3b: {  	_ = 	snop  }
0x3c: {  	p2 =	seq.s32 s10, $0x1;
	s10 =	sld [smem:$0x3FB8]  }
0x3d: {  	_ =	shalt  }
0x3e: {  	_ =	shalt  }
0x3f: {  	_ =	shalt  }
0x40: {  	_ =	shalt  }
0x41: {  	_ =	shalt  }
0x42: {  	_ =	shalt  }
0x43: {  	_ =	shalt  }
0x44: {  	_ =	shalt  }
0x45: {  	_ =	shalt  }
0x46: {  	_ =	shalt  }
0x47: {  	_ =	shalt  }
0x48: {  	_ =	shalt  }
0x49: {  	_ =	shalt  }
0x4a: {  	_ =	shalt  }
0x4b: {  	_ =	shalt  }
0x4c: {  	_ =	shalt  }
0x4d: {  	_ =	shalt  }
0x4e: {  	_ =	shalt  }
0x4f: {  	_ =	shalt  }
0x50: {  	_ =	shalt  }
0x51: {  	_ =	shalt  }
0x52: {  	_ =	shalt  }
0x53: {  	_ =	shalt  }
0x54: {  	_ =	shalt  }
0x55: {  	_ =	shalt  }
0x56: {  	_ =	shalt  }
0x57: {  	_ =	shalt  }
0x58: {  	_ =	shalt  }
0x59: {  	_ =	shalt  }
0x5a: {  	_ =	shalt  }
0x5b: {  	_ =	shalt  }
0x5c: {  	_ =	shalt  }
0x5d: {  	_ =	shalt  }
0x5e: {  	_ =	shalt  }
0x5f: {  	_ =	shalt  }
0x60: {  	_ =	shalt  }
0x61: {  	_ =	shalt  }
0x62: {  	_ =	shalt  }
0x63: {  	_ =	shalt  }
0x64: {  	_ =	shalt  }
0x65: {  	_ =	shalt  }
0x66: {  	_ =	shalt  }
0x67: {  	_ =	shalt  }
0x68: {  	_ =	shalt  }
0x69: {  	_ =	shalt  }
0x6a: {  	_ =	shalt  }
0x6b: {  	_ =	shalt  }
0x6c: {  	_ =	shalt  }
0x6d: {  	_ =	shalt  }
0x6e: {  	_ =	shalt  }
0x6f: {  	_ =	shalt  }
0x70: {  	_ =	shalt  }
0x71: {  	_ =	shalt  }
0x72: {  	_ =	shalt  }
0x73: {  	_ =	shalt  }
0x74: {  	_ =	shalt  }
0x75: {  	_ =	shalt  }
0x76: {  	_ =	shalt  }
0x77: {  	_ =	shalt  }
0x78: {  	_ =	shalt  }
0x79: {  	_ =	shalt  }
0x7a: {  	_ =	shalt  }
0x7b: {  	_ =	shalt  }
0x7c: {  	_ =	shalt  }
0x7d: {  	_ =	shalt  }
0x7e: {  	_ =	shalt  }
0x7f: {  	_ =	shalt  }
0x80: {  	_ =	shalt  }
0x81: {  	_ =	shalt  }
0x82: {  	_ =	shalt  }
0x83: {  	_ =	shalt  }
0x84: {  	_ =	shalt  }
0x85: {  	_ =	shalt  }
0x86: {  	_ =	shalt  }
0x87: {  	_ =	shalt  }
.Lfunc_end0:
.L_simem_size_0:
called_computation_lowered:
.L_overlay_start_0:
0x88: {  	s2 =	sld [smem:$0x3FD9]  }
0x89: {  	s3 =	sld [smem:$0x3FFE];
	_ =	sdelay $0x1  }
0x8a: {  	s1 =	srdreg.scid  }
0x8b: {  	s0 =	sand.u32 $0x1, s1  }
0x8c: {  	s17 =	sshll.u32 s0, $0xA;
	s2 =	sadd.s32 s3, s2  }
0x8d: {  	s2 =	sadd.s32 s2, s17  }
0x8e: {  	[smem:$0x3FC4] =	sst s2  }
0x8f: {  	_ = 	snop  }
0x90: {  	s2 =	sld [smem:$0x3FC9]  }
0x91: {  	s18 =	sld [smem:$0x3FC8];
	(tm) =	ssettm $0x1  }
0x92: {  	s4 =	sld [smem:$0x3FFB];
	_ =	sdelay $0x3  }
0x93: {  	_ =	strace s4  }
0x94: {  	s4 =	sld [smem:$0x3FFC];
	_ =	sdelay $0x3  }
0x95: {  	_ =	strace s4  }
0x96: {  	s4 =	sld [smem:$0x3FFD];
	_ =	sdelay $0x3  }
0x97: {  	_ =	strace s4  }
0x98: {  	_ =	strace $0x8FFFFFFF  }
0x99: {  	s19 =	sld [smem:$0x3FDB];
	_ =	sdelay $0x1  }
0x9a: {  	s5 =	simm.s32 $_scs_section_size  }
0x9b: {  	s6 =	simm.s32 $_size__tile_overlayer_lowered;
	s7 =	simm.s32 $_tile_overlayer_lowered  }
0x9c: {  	s22 =	simm.s32 $0x1BFF;
	s21 =	sshll.u32 s7, $0x1;
	s4 =	sadd.s32 s5, s19  }
0x9d: {  	s8 =	simm.s32 $0x0;
	s20 =	sshll.u32 s6, $0x1;
	s6 =	sadd.s32 s21, s4  }
0x9e: {  	[timem:s8], [sflag:s22] =	dma.local [hbm:s6], s20  }
0x9f: {  	_ =	swait.ge [sflag:s22], s20  }
0xa0: {  	s5 =	ssub.s32 $0x0, s20;
	[sflag:s22] =	ssyncset.done $0x0  }
0xa1: {  	[sflag:s22] =	ssyncadd.s32 s5;
	_ =	sdelay $0x1  }
0xa2: {  	s23 =	simm.s32 $0x1B8B  }
0xa3: {  	_ =	swait.ge [sflag:s23], $0x1  }
0xa4: {  	[sflag:s23] =	ssyncset.done $0x0  }
0xa5: {  	s25 =	simm.s32 $0x1B8E;
	s24 =	sld [smem:$0x3FFE];
	[sflag:s23] =	ssyncadd.s32 $0xFFFFFFFF  }
0xa6: {  	s26 =	simm.s32 $execute0_lowered;
	[smem:$0x3FD2] =	sst s25  }
0xa7: {  	s6 =	sshll.u32 s26, $0x1;
	_ =	strace $0x80000046;
	[dreg:$0x1] =	wrdreg $0xFFFFFFFF  }
0xa8: {  	s28 =	simm.s32 $_size_execute0_lowered;
	s4 =	sadd.s32 s4, s6;
	[dreg:$0x0] =	wrdreg $0x0  }
0xa9: {  	s6 =	sshll.u32 s28, $0x1;
	[dreg:$0x2] =	wrdreg s4  }
0xaa: {  	[dreg:$0x3] =	wrdreg s6  }
0xab: {  	[dreg:$0x4] =	wrdreg $0xC0  }
0xac: {  	_ =	task [dreg:s8], $0x5FFFF  }
0xad: {  	[dreg:$0x1] =	wrdreg $0xFFFFFFFF  }
0xae: {  	[dreg:$0x0] =	wrdreg $0x60  }
0xaf: {  	[dreg:$0x2] =	wrdreg s2  }
0xb0: {  	[dreg:$0x3] =	wrdreg s18  }
0xb1: {  	[dreg:$0x4] =	wrdreg s24  }
0xb2: {  	[dreg:$0x5] =	wrdreg $0x9  }
0xb3: {  	_ =	task.clear_ibuf [dreg:s8], $0x6FFFF;
	_ =	strace $0x90000046  }
0xb4: {  	s29 =	simm.s32 $0x9;
	_ =	strace $0x80000048  }
0xb5: {  	_ =	swait.ge [sflag:s29], $0x1  }
0xb6: {  	[sflag:s29] =	ssyncadd.s32 $0xFFFFFFFF  }
0xb7: {  	_ =	strace $0x90000048  }
0xb8: {  	_ =	sfence  }
0xb9: {  	s30 =	sld [smem:$0x0];
	_ =	sdelay $0x2  }
0xba: {  	s31 =	sshll.u32 s1, $0xD;
	s1 =	sshrl.u32 s1, $0x2  }
0xbb: {  	s3 =	sand.u32 $0x4000, s31;
	s1 =	sadd.s32 s1, s30  }
0xbc: {  	s0 =	sor.u32 s3, s0;
	s1 =	sshll.u32 s1, $0x11  }
0xbd: {  	s0 =	sor.u32 s1, s0  }
0xbe: {  	s0 =	sadd.s32 $0x8F2B, s0  }
0xbf: {  	[sflag:s0] =	ssyncadd.remote.s32 $0x1  }
0xc0: {  	_ =	sfence.sel $0xFFFF  }
0xc1: {  	[dreg:$0x0] =	wrdreg $0xFFFFFFFF;
	(pc) =	sbr.abs _section_cstart, $3  }
0xc2: {  	[dreg:$0x1] =	wrdreg $0xFFFFFFFF  }
0xc3: {  	_ =	task.clear_ibuf [dreg:s8], $0x2FFFF;
	_ =	strace $0x9FFFFFFF  }
0xc4: {  	(tm) =	ssettm $0x7FFFFFFF  }
0xc5: {  	_ =	shalt  }
tec
execute0_lowered:
.L_overlay_start_1:
0x0: {  	(tag) =	ssettag $0x1  }
0x1: {  	s0 =	rddreg [dreg:$0x0]  }
0x2: {  	s1 =	rddreg [dreg:$0x1]  }
0x3: {  	s5 =	rddreg [dreg:$0x2]  }
0x4: {  	s2 =	simm.s32 $0x0;
	s4 =	srdreg.scid;
	s7 =	stileid.u32  }
0x5: {  	s16 =	simm.s32 $0x2;
	s17 =	simm.s32 $0x200;
	s18 =	simm.s32 $0x80  }
0x6: {  	s19 =	simm.s32 $0x280;
	s20 =	simm.s32 $0x100;
	s21 =	simm.s32 $0x300  }
0x7: {  	s22 =	simm.s32 $0x180;
	s23 =	simm.s32 $0x380;
	s30 =	simm.s32 $0xC400  }
0x8: {  	s31 =	simm.s32 $0x6400;
	s24 =	simm.s32 $0x10400;
	s25 =	simm.s32 $0x10410  }
0x9: {  	s26 =	simm.s32 $0x0;
	[smem:$0x7FF] =	sst s2;
	s3 =	sadd.s32 $0xF42800, s5  }
0xa: {  	s6 =	sand.u32 $0x1, s4;
	s7 =	sshll.u32 s7, $0x1;
	s4 =	sadd.s32 $0x16E3A00, s5  }
0xb: {  	_ =	strace $0x80000047;
	s7 =	sor.u32 s6, s7;
	s6 =	ssub.s32 $0x2, s6  }
0xc: {  	s8 =	sshll.u32 s7, $0x1;
	s9 =	sshrl.u32 s6, $0x1;
	s10 =	sshll.u32 s7, $0x6  }
0xd: {  	vm0 =	vmmov $0x1;
	s14 =	sadd.s32 s8, s5;
	s15 =	ssub.s32 s6, s9;
	s29 =	sor.u32 $0x10, s10  }
0xe: {  	vm1 =	vcmask $0x704;
	vm2 =	vcmask $0xB08;
	vm3 =	vcmask $0xF0C;
	s5 =	sadd.s32 s0, s10;
	s6 =	sadd.s32 s1, s10;
	s11 =	sor.u32 $0x20, s10  }
0xf: {  	vm4 =	vcmask $0x1310;
	vm5 =	vcmask $0x1714;
	vm6 =	vcmask $0x1B18;
	s12 =	sor.u32 $0x30, s10;
	s7 =	sadd.s32 s0, s29;
	s8 =	sadd.s32 s1, s29  }
0x10: {  	vm7 =	vcmask $0x1F1C;
	vm8 =	vcmask $0x2320;
	vm9 =	vcmask $0x2724;
	s9 =	sadd.s32 s0, s11;
	s10 =	sadd.s32 s1, s11;
	s11 =	sadd.s32 s0, s12  }
0x11: {  	vm10 =	vcmask $0x2B28;
	vm11 =	vcmask $0x2F2C;
	vm12 =	vcmask $0x3330;
	s12 =	sadd.s32 s1, s12;
	s13 =	sadd.s32 $0x400, s14;
	s14 =	sadd.s32 $0x440, s14  }
0x12: {  	vm13 =	vcmask $0x3734;
	vm14 =	vcmask $0x3B38;
	vm15 =	vmmov $0x7fff;
	s15 =	smax.u32 s15, $0x1;
	s0 =	simm.s32 $0xE400;
	s1 =	simm.s32 $0x1  }
.LBB2_1:
0x13: {  	[tilespmem:s2], [sflag:$0x2] =	stream.linear.gather [hbm4b:s5+s2], $0x80, $0x38;
	[tilespmem:$0x10420] =	vst v63  }
0x14: {  	_ =	swait.ge [sflag:s16], $0x80  }
0x15: {  	[sflag:s16] =	ssyncset.done $0x0  }
0x16: {  	[sflag:s16] =	ssyncadd.s32 $0xFFFFFF80  }
0x17: {  	[tilespmem:s17], [sflag:$0x2] =	stream.linear.gather [hbm4b:s6+s2], $0x80, $0x38;
	[tilespmem:$0x10420] =	vst v63  }
0x18: {  	_ =	swait.ge [sflag:s16], $0x80  }
0x19: {  	[sflag:s16] =	ssyncset.done $0x0  }
0x1a: {  	[sflag:s16] =	ssyncadd.s32 $0xFFFFFF80  }
0x1b: {  	[tilespmem:s18], [sflag:$0x2] =	stream.linear.gather [hbm4b:s7+s2], $0x80, $0x38;
	[tilespmem:$0x10420] =	vst v63  }
0x1c: {  	_ =	swait.ge [sflag:s16], $0x80  }
0x1d: {  	[sflag:s16] =	ssyncset.done $0x0  }
0x1e: {  	[sflag:s16] =	ssyncadd.s32 $0xFFFFFF80  }
0x1f: {  	[tilespmem:s19], [sflag:$0x2] =	stream.linear.gather [hbm4b:s8+s2], $0x80, $0x38;
	[tilespmem:$0x10420] =	vst v63  }
0x20: {  	_ =	swait.ge [sflag:s16], $0x80  }
0x21: {  	[sflag:s16] =	ssyncset.done $0x0  }
0x22: {  	[sflag:s16] =	ssyncadd.s32 $0xFFFFFF80  }
0x23: {  	[tilespmem:s20], [sflag:$0x2] =	stream.linear.gather [hbm4b:s9+s2], $0x80, $0x38;
	[tilespmem:$0x10420] =	vst v63  }
0x24: {  	_ =	swait.ge [sflag:s16], $0x80  }
0x25: {  	[sflag:s16] =	ssyncset.done $0x0  }
0x26: {  	[sflag:s16] =	ssyncadd.s32 $0xFFFFFF80  }
0x27: {  	[tilespmem:s21], [sflag:$0x2] =	stream.linear.gather [hbm4b:s10+s2], $0x80, $0x38;
	[tilespmem:$0x10420] =	vst v63  }
0x28: {  	_ =	swait.ge [sflag:s16], $0x80  }
0x29: {  	[sflag:s16] =	ssyncset.done $0x0  }
0x2a: {  	[sflag:s16] =	ssyncadd.s32 $0xFFFFFF80  }
0x2b: {  	[tilespmem:s22], [sflag:$0x2] =	stream.linear.gather [hbm4b:s11+s2], $0x80, $0x38;
	[tilespmem:$0x10420] =	vst v63  }
0x2c: {  	_ =	swait.ge [sflag:s16], $0x80  }
0x2d: {  	[sflag:s16] =	ssyncset.done $0x0  }
0x2e: {  	[sflag:s16] =	ssyncadd.s32 $0xFFFFFF80  }
0x2f: {  	[tilespmem:s23], [sflag:$0x2] =	stream.linear.gather [hbm4b:s12+s2], $0x80, $0x38;
	[tilespmem:$0x10420] =	vst v63  }
0x30: {  	_ =	swait.ge [sflag:s16], $0x80  }
0x31: {  	[sflag:s16] =	ssyncset.done $0x0  }
0x32: {  	s28 =	simm.s32 $0x400;
	[sflag:s16] =	ssyncadd.s32 $0xFFFFFF80  }
0x33: {  	[tilespmem:s28], [sflag:$0x1] =	stream.indirect.gather [hbm4b:s3+s18], $0x40, s2, s18, $0xb8;
	[tilespmem:$0x10420] =	vst v63  }
0x34: {  	s28 =	simm.s32 $0x8400  }
0x35: {  	[tilespmem:s28], [sflag:$0x1] =	stream.indirect.gather [hbm4b:s4+s18], $0x40, s17, s18, $0xb8;
	[tilespmem:$0x10420] =	vst v63  }
0x36: {  	s28 =	simm.s32 $0x2400  }
0x37: {  	[tilespmem:s28], [sflag:$0x1] =	stream.indirect.gather [hbm4b:s3+s18], $0x40, s18, s18, $0xb8;
	[tilespmem:$0x10420] =	vst v63  }
0x38: {  	s28 =	simm.s32 $0xA400  }
0x39: {  	[tilespmem:s28], [sflag:$0x1] =	stream.indirect.gather [hbm4b:s4+s18], $0x40, s19, s18, $0xb8;
	[tilespmem:$0x10420] =	vst v63  }
0x3a: {  	s28 =	simm.s32 $0x4400  }
0x3b: {  	[tilespmem:s28], [sflag:$0x1] =	stream.indirect.gather [hbm4b:s3+s18], $0x40, s20, s18, $0xb8;
	[tilespmem:$0x10420] =	vst v63  }
0x3c: {  	_ = 	snop  }
0x3d: {  	[tilespmem:s30], [sflag:$0x1] =	stream.indirect.gather [hbm4b:s4+s18], $0x40, s21, s18, $0xb8;
	[tilespmem:$0x10420] =	vst v63  }
0x3e: {  	_ = 	snop  }
0x3f: {  	[tilespmem:s31], [sflag:$0x1] =	stream.indirect.gather [hbm4b:s3+s18], $0x40, s22, s18, $0xb8;
	[tilespmem:$0x10420] =	vst v63  }
0x40: {  	_ = 	snop  }
0x41: {  	[tilespmem:s0], [sflag:$0x1] =	stream.indirect.gather [hbm4b:s4+s18], $0x40, s23, s18, $0xb8;
	[tilespmem:$0x10420] =	vst v63  }
0x42: {  	_ =	swait.ge [sflag:s1], $0x2000  }
0x43: {  	[sflag:s1] =	ssyncset.done $0x0  }
0x44: {  	[sflag:s1] =	ssyncadd.s32 $0xFFFFE000  }
0x45: {  	_ =	swait.ge [sflag:s1], $0x2000  }
0x46: {  	[sflag:s1] =	ssyncset.done $0x0  }
0x47: {  	[sflag:s1] =	ssyncadd.s32 $0xFFFFE000  }
0x48: {  	_ =	swait.ge [sflag:s1], $0x2000  }
0x49: {  	[sflag:s1] =	ssyncset.done $0x0  }
0x4a: {  	[sflag:s1] =	ssyncadd.s32 $0xFFFFE000  }
0x4b: {  	_ =	swait.ge [sflag:s1], $0x2000  }
0x4c: {  	[sflag:s1] =	ssyncset.done $0x0  }
0x4d: {  	[sflag:s1] =	ssyncadd.s32 $0xFFFFE000  }
0x4e: {  	_ =	swait.ge [sflag:s1], $0x2000  }
0x4f: {  	[sflag:s1] =	ssyncset.done $0x0  }
0x50: {  	[sflag:s1] =	ssyncadd.s32 $0xFFFFE000  }
0x51: {  	_ =	swait.ge [sflag:s1], $0x2000  }
0x52: {  	[sflag:s1] =	ssyncset.done $0x0  }
0x53: {  	[sflag:s1] =	ssyncadd.s32 $0xFFFFE000  }
0x54: {  	_ =	swait.ge [sflag:s1], $0x2000  }
0x55: {  	[sflag:s1] =	ssyncset.done $0x0  }
0x56: {  	[sflag:s1] =	ssyncadd.s32 $0xFFFFE000  }
0x57: {  	_ =	swait.ge [sflag:s1], $0x2000  }
0x58: {  	[sflag:s1] =	ssyncset.done $0x0  }
0x59: {  	s28 =	simm.s32 $0x0;
	[sflag:s1] =	ssyncadd.s32 $0xFFFFE000  }
0x5a: {  	v0 =	vld [tilespmem:s28+$0x7D0]  }
0x5b: {  	v2 =	vld [tilespmem:s28+$0x770]  }
0x5c: {  	v3 =	vld [tilespmem:s28+$0x8770]  }
0x5d: {  	v10 =	vld [tilespmem:s28+$0x760]  }
0x5e: {  	v11 =	vld [tilespmem:s28+$0x8760]  }
0x5f: {  	v4 =	vld [tilespmem:s28+$0x6F0]  }
0x60: {  	v6 =	vld [tilespmem:s28+$0x86F0]  }
0x61: {  	v37 =	vld [tilespmem:s28+$0x750]  }
0x62: {  	v39 =	vld [tilespmem:s28+$0x8750]  }
0x63: {  	v12 =	vld [tilespmem:s28+$0x6E0]  }
0x64: {  	[tilespmem:$0x1FF20] =	vst v0;
	v0 =	vld [tilespmem:s28+$0x87D0]  }
0x65: {  	v61 =	vld [tilespmem:s28+$0x86E0]  }
0x66: {  	v45 =	vld [tilespmem:s28+$0x740]  }
0x67: {  	v47 =	vld [tilespmem:s28+$0x8740]  }
0x68: {  	v8 =	vld [tilespmem:s28+$0x670]  }
0x69: {  	[tilespmem:$0x1FF30] =	vst v0;
	v0 =	vld [tilespmem:s28+$0x7C0]  }
0x6a: {  	v9 =	vld [tilespmem:s28+$0x8670]  }
0x6b: {  	v52 =	vld [tilespmem:s28+$0x6D0]  }
0x6c: {  	v53 =	vld [tilespmem:s28+$0x86D0]  }
0x6d: {  	v63 =	vld [tilespmem:s28+$0x660]  }
0x6e: {  	[tilespmem:$0x1FF40] =	vst v0;
	v0 =	vld [tilespmem:s28+$0x87C0]  }
0x6f: {  	v57 =	vld [tilespmem:s28+$0x8660]  }
0x70: {  	v55 =	vld [tilespmem:s28+$0x6C0]  }
0x71: {  	v58 =	vld [tilespmem:s28+$0x86C0]  }
0x72: {  	v5 =	vld [tilespmem:s28+$0x5F0]  }
0x73: {  	[tilespmem:$0x1FF50] =	vst v0;
	v0 =	vld [tilespmem:s28+$0x790]  }
0x74: {  	v7 =	vld [tilespmem:s28+$0x85F0]  }
0x75: {  	v16 =	vld [tilespmem:s28+$0x620]  }
0x76: {  	v59 =	vld [tilespmem:s28+$0x650]  }
0x77: {  	v62 =	vld [tilespmem:s28+$0x8650]  }
0x78: {  	[tilespmem:$0x1FF60] =	vst v0;
	v0 =	vld [tilespmem:s28+$0x8790]  }
0x79: {  	v17 =	vld [tilespmem:s28+$0x680]  }
0x7a: {  	v18 =	vld [tilespmem:s28+$0x5B0]  }
0x7b: {  	v19 =	vld [tilespmem:s28+$0x85B0]  }
0x7c: {  	v13 =	vld [tilespmem:s28+$0x5E0]  }
0x7d: {  	[tilespmem:$0x1FF70] =	vst v0;
	v0 =	vld [tilespmem:s28+$0x780]  }
0x7e: {  	v60 =	vld [tilespmem:s28+$0x85E0]  }
0x7f: {  	v38 =	vld [tilespmem:s28+$0x640]  }
0x80: {  	v29 =	vld [tilespmem:s28+$0x570]  }
0x81: {  	v31 =	vld [tilespmem:s28+$0x8570]  }
0x82: {  	[tilespmem:$0x1FF80] =	vst v0;
	v0 =	vld [tilespmem:s28+$0x8780]  }
0x83: {  	v20 =	vld [tilespmem:s28+$0x5A0]  }
0x84: {  	v21 =	vld [tilespmem:s28+$0x85A0]  }
0x85: {  	v50 =	vld [tilespmem:s28+$0x5D0]  }
0x86: {  	v42 =	vld [tilespmem:s28+$0x85D0]  }
0x87: {  	[tilespmem:$0x1FF90] =	vst v0;
	v0 =	vld [tilespmem:s28+$0x710]  }
0x88: {  	v22 =	vld [tilespmem:s28+$0x530]  }
0x89: {  	v23 =	vld [tilespmem:s28+$0x8530]  }
0x8a: {  	v40 =	vld [tilespmem:s28+$0x560]  }
0x8b: {  	v41 =	vld [tilespmem:s28+$0x8560]  }
0x8c: {  	[tilespmem:$0x1FFA0] =	vst v0;
	v0 =	vld [tilespmem:s28+$0x8710]  }
0x8d: {  	v36 =	vld [tilespmem:s28+$0x5C0]  }
0x8e: {  	v1 =	vld [tilespmem:s28+$0x85C0]  }
0x8f: {  	v32 =	vld [tilespmem:s28+$0x4F0]  }
0x90: {  	v33 =	vld [tilespmem:s28+$0x84F0]  }
0x91: {  	[tilespmem:$0x1FFB0] =	vst v0;
	v0 =	vld [tilespmem:s28+$0x700]  }
0x92: {  	v24 =	vld [tilespmem:s28+$0x520]  }
0x93: {  	v25 =	vld [tilespmem:s28+$0x8520]  }
0x94: {  	v56 =	vld [tilespmem:s28+$0x550]  }
0x95: {  	v51 =	vld [tilespmem:s28+$0x8550]  }
0x96: {  	[tilespmem:$0x1FFC0] =	vst v0;
	v0 =	vld [tilespmem:s28+$0x8700]  }
0x97: {  	v26 =	vld [tilespmem:s28+$0x4B0]  }
0x98: {  	v27 =	vld [tilespmem:s28+$0x84B0]  }
0x99: {  	v44 =	vld [tilespmem:s28+$0x4E0]  }
0x9a: {  	v46 =	vld [tilespmem:s28+$0x84E0]  }
0x9b: {  	[tilespmem:$0x1FFD0] =	vst v0;
	v0 =	vld [tilespmem:s28+$0x630]  }
0x9c: {  	v49 =	vld [tilespmem:s28+$0x540]  }
0x9d: {  	v43 =	vld [tilespmem:s28+$0x8540]  }
0x9e: {  	v34 =	vld [tilespmem:s28+$0x470]  }
0x9f: {  	v35 =	vld [tilespmem:s28+$0x8470]  }
0xa0: {  	[tilespmem:$0x1FFE0] =	vst v0;
	v0 =	vld [tilespmem:s28+$0x690]  }
0xa1: {  	v28 =	vld [tilespmem:s28+$0x4A0]  }
0xa2: {  	v30 =	vld [tilespmem:s28+$0x84A0]  }
0xa3: {  	v54 =	vld [tilespmem:s28+$0x4D0]  }
0xa4: {  	v45 =	vmul.f32 v47, v45;
	v47 =	vmul.f32 v58, v55;
	v55 =	vld [tilespmem:s28+$0x84D0]  }
0xa5: {  	[tilespmem:$0x1FFF0] =	vst v0;
	v0 =	vld [tilespmem:s28+$0x8640]  }
0xa6: {  	v14 =	vmul.f32 v39, v37;
	v37 =	vld [tilespmem:s28+$0x430]  }
0xa7: {  	v52 =	vmul.f32 v53, v52;
	v39 =	vld [tilespmem:s28+$0x8430];
	v59 =	vmul.f32 v62, v59  }
0xa8: {  	v1 =	vmul.f32 v1, v36;
	v57 =	vmul.f32 v57, v63;
	v36 =	vld [tilespmem:s28+$0x420];
	v48 =	vadd.f32 $0.0e+00, v45  }
0xa9: {  	v50 =	vmul.f32 v42, v50;
	v42 =	vld [tilespmem:s28+$0x450];
	v56 =	vmul.f32 v51, v56;
	v47 =	vadd.f32 $0.0e+00, v47  }
0xaa: {  	v51 =	vld [tilespmem:s28+$0x8440];
	v14 =	vadd.f32 v14, v48;
	v48 =	vmul.f32 v11, v10;
	v0 =	vmul.f32 v0, v38  }
0xab: {  	v45 =	vld [tilespmem:s28+$0x460];
	v1 =	vadd.f32 $0.0e+00, v1;
	v52 =	vadd.f32 v52, v47;
	v10 =	vmul.f32 v61, v12  }
0xac: {  	v11 =	vld [tilespmem:s28+$0x4C0];
	v12 =	vmul.f32 v3, v2;
	v53 =	vadd.f32 v48, v14;
	v0 =	vadd.f32 $0.0e+00, v0  }
0xad: {  	v1 =	vadd.f32 v50, v1;
	v48 =	vld [tilespmem:s28+$0x84C0];
	v52 =	vadd.f32 v10, v52;
	v14 =	vmul.f32 v6, v4  }
0xae: {  	v63 =	vmul.f32 v60, v13;
	v47 =	vld [tilespmem:s28+$0x8460];
	v53 =	vadd.f32 v12, v53;
	v0 =	vadd.f32 v59, v0  }
0xaf: {  	v49 =	vmul.f32 v43, v49;
	v50 =	vld [tilespmem:s28+$0x440];
	v52 =	vadd.f32 v14, v52  }
0xb0: {  	v62 =	vmul.f32 v9, v8;
	v58 =	vadd.f32 v63, v1;
	(xrf2) =	vadd.scan.msk.f32 $0xffff, v53;
	v38 =	vld [tilespmem:s28+$0x8420];
	v0 =	vadd.f32 v57, v0  }
0xb1: {  	v1 =	vimm.f32 $0.0e+00;
	(xrf2) =	vadd.scan.msk.f32 $0xffff, v52;
	v52 =	vmul.f32 v7, v5;
	v59 =	vadd.f32 $0.0e+00, v49;
	v49 =	vld [tilespmem:s28+$0x400]  }
0xb2: {  	s29 =	simm.s32 $0x1000;
	v57 =	vmul.f32 v48, v11;
	v48 =	vld [tilespmem:s28+$0x8450];
	v43 =	vadd.f32 v62, v0;
	v0 =	vimm.f32 $0.0e+00  }
.LBB2_2:
0xb3: {  	v53 =	vld [tilespmem:s28+$0x8400]  }
0xb4: {  	v10 =	vld [tilespmem:s28+$0x410]  }
0xb5: {  	v12 =	vld [tilespmem:s28+$0x8410]  }
0xb6: {  	v13 =	vld [tilespmem:s28+$0x480]  }
0xb7: {  	v61 =	vld [tilespmem:s28+$0x8490]  }
0xb8: {  	v63 =	vld [tilespmem:s28+$0x500]  }
0xb9: {  	v4 =	vld [tilespmem:s28+$0x8500]  }
0xba: {  	v6 =	vld [tilespmem:s28+$0x510]  }
0xbb: {  	v7 =	vld [tilespmem:s28+$0x8510]  }
0xbc: {  	v9 =	vld [tilespmem:s28+$0x580]  }
0xbd: {  	v3 =	vld [tilespmem:$0x1FF30]  }
0xbe: {  	v52 =	vadd.f32 v52, v58;
	v58 =	vld [tilespmem:s28+$0x490]  }
0xbf: {  	(xrf2) =	vadd.scan.msk.f32 $0xffff, v43;
	v43 =	vld [tilespmem:s28+$0x610]  }
0xc0: {  	(xrf2) =	vadd.scan.msk.f32 $0xffff, v52;
	v52 =	vld [tilespmem:$0x1FFD0]  }
0xc1: {  	v26 =	vmul.f32 v27, v26;
	v27 =	vld [tilespmem:s28+$0x8590]  }
0xc2: {  	v22 =	vmul.f32 v23, v22;
	v23 =	vld [tilespmem:s28+$0x8610]  }
0xc3: {  	v20 =	vmul.f32 v21, v20;
	v21 =	vld [tilespmem:s28+$0x8620]  }
0xc4: {  	v14 =	vmul.f32 v46, v44;
	v44 =	vld [tilespmem:$0x1FF60]  }
0xc5: {  	v60 =	vmul.f32 v47, v45;
	v45 =	vld [tilespmem:$0x1FF70]  }
0xc6: {  	v18 =	vmul.f32 v19, v18;
	v19 =	vld [tilespmem:s28+$0x8630]  }
0xc7: {  	v42 =	vmul.f32 v48, v42;
	v48 =	vld [tilespmem:$0x1FFA0]  }
0xc8: {  	v56 =	vadd.f32 v56, v59;
	v40 =	vmul.f32 v41, v40;
	v50 =	vmul.f32 v51, v50;
	v51 =	vld [tilespmem:$0x1FFC0]  }
0xc9: {  	v41 =	vmul.f32 v12, v10;
	v10 =	vld [tilespmem:s28+$0x8580]  }
0xca: {  	v40 =	vadd.f32 v40, v56;
	v56 =	vld [tilespmem:s28+$0x8480]  }
0xcb: {  	v34 =	vmul.f32 v35, v34;
	v35 =	vmul.f32 v4, v63;
	v4 =	vld [tilespmem:$0x1FF40]  }
0xcc: {  	v11 =	vadd.f32 $0.0e+00, v57;
	v54 =	vmul.f32 v55, v54;
	v57 =	vmul.f32 v53, v49;
	v49 =	vld [tilespmem:$0x1FFF0]  }
0xcd: {  	v2 =	vmul.f32 v31, v29;
	v53 =	vld [tilespmem:s28+$0x720]  }
0xce: {  	v31 =	vadd.f32 v54, v11;
	v54 =	vadd.f32 $0.0e+00, v50;
	v8 =	vmul.f32 v61, v58;
	v50 =	vld [tilespmem:$0x1FFE0]  }
0xcf: {  	v58 =	vld [tilespmem:s28+$0x87A0];
	v62 =	vadd.f32 $0.0e+00, v57;
	v40 =	vadd.f32 v2, v40;
	v5 =	vmul.f32 v56, v13  }
0xd0: {  	v32 =	vmul.f32 v33, v32;
	v2 =	vadd.f32 v14, v31;
	v59 =	vadd.f32 v42, v54;
	v14 =	vld [tilespmem:s28+$0x600]  }
0xd1: {  	v36 =	vmul.f32 v38, v36;
	v16 =	vmul.f32 v21, v16;
	v21 =	vld [tilespmem:s28+$0x86B0];
	v38 =	vadd.f32 $0.0e+00, v5  }
0xd2: {  	v29, _, _ =	vpop (xrf2);
	(xrf2) =	vadd.scan.msk.f32 $0xffff, v40;
	v33 =	vadd.f32 v60, v59;
	v40 =	vadd.f32 v41, v62;
	v41 =	vld [tilespmem:s28+$0x8600]  }
0xd3: {  	v30 =	vmul.f32 v30, v28;
	v2 =	vadd.f32 v32, v2;
	v60 =	vld [tilespmem:s28+$0x7B0];
	v12 =	vadd.f32 v8, v38  }
0xd4: {  	v13 =	vld [tilespmem:s28+$0x590];
	v33 =	vadd.f32 v34, v33  }
0xd5: {  	v35 =	vadd.f32 $0.0e+00, v35;
	v31, _, _ =	vpop (xrf2);
	v56 =	vld [tilespmem:s28+$0x7A0];
	(xrf2) =	vadd.scan.msk.f32 $0xffff, v2;
	v34 =	vmul.f32 v7, v6;
	v30 =	vadd.f32 v30, v12  }
0xd6: {  	v25 =	vmul.f32 v25, v24;
	v32, _, _ =	vpop (xrf2);
	v36 =	vadd.f32 v36, v40;
	v2 =	vld [tilespmem:$0x1FF20];
	(xrf2) =	vadd.scan.msk.f32 $0xffff, v33  }
0xd7: {  	v40 =	vld [tilespmem:s28+$0x7F0];
	v7 =	vadd.f32 v26, v30;
	v26 =	vadd.f32 v34, v35;
	v30 =	vmul.f32 v10, v9  }
0xd8: {  	v37 =	vmul.f32 v39, v37;
	v5 =	vld [tilespmem:$0x1FF50]  }
0xd9: {  	v6 =	vadd.f32 v25, v26;
	v25 =	vadd.f32 $0.0e+00, v30;
	v26 =	vmul.f32 v27, v13;
	v27 =	vld [tilespmem:s28+$0x8680]  }
0xda: {  	v33 =	vld [tilespmem:s28+$0x7E0]  }
0xdb: {  	v11 =	vadd.f32 v37, v36;
	v46 =	vadd.f32 v26, v25;
	v25 =	vld [tilespmem:s28+$0x8690]  }
0xdc: {  	v8 =	vld [tilespmem:$0x1FF80]  }
0xdd: {  	v28, _, _ =	vpop (xrf2);
	(xrf2) =	vadd.scan.msk.f32 $0xffff, v11;
	v9 =	vld [tilespmem:$0x1FF90]  }
0xde: {  	v24 =	vmul.f32 v3, v2;
	v10 =	vld [tilespmem:$0x1FFB0];
	v2, _, _ =	vpop (xrf2);
	v6 =	vadd.f32 v22, v6;
	v47 =	vmul.f32 v27, v17  }
0xdf: {  	v35 =	vld [tilespmem:s28+$0x87E0];
	(xrf2) =	vadd.scan.msk.f32 $0xffff, v7;
	v3, _, _ =	vpop (xrf2);
	v22 =	vmul.f32 v41, v14  }
0xe0: {  	v14 =	vmul.f32 v19, v50;
	v19 =	vld [tilespmem:s28+$0x8730];
	v13, _, _ =	vpop (xrf2);
	(xrf2) =	vadd.scan.msk.f32 $0xffff, v6;
	v6 =	vadd.f32 $0.0e+00, v47;
	v15 =	vmul.f32 v25, v49  }
0xe1: {  	v12 =	vadd.f32 $0.0e+00, v22;
	v22 =	vmul.f32 v23, v43;
	v23 =	vld [tilespmem:s28+$0x6A0]  }
0xe2: {  	v6 =	vadd.f32 v15, v6;
	v15 =	vld [tilespmem:s28+$0x8720]  }
0xe3: {  	v7 =	vadd.f32 v20, v46;
	v43 =	vld [tilespmem:s28+$0x87F0]  }
0xe4: {  	v17 =	vld [tilespmem:s28+$0x86A0];
	v11 =	vadd.f32 v22, v12  }
0xe5: {  	v39 =	vmul.f32 v58, v56;
	v9 =	vmul.f32 v9, v8;
	v7 =	vadd.f32 v18, v7;
	v18 =	vld [tilespmem:s28+$0x6B0]  }
0xe6: {  	v4 =	vmul.f32 v5, v4;
	v2 =	vbroadcast v2, $0xF;
	v11 =	vadd.f32 v16, v11;
	v16 =	vld [tilespmem:s28+$0x730]  }
0xe7: {  	v5 =	vmul.f32 v45, v44;
	v20, _, _ =	vpop (xrf2);
	v9 =	vadd.f32 $0.0e+00, v9;
	v59 =	vmul.f32 v15, v53;
	v15 =	vld [tilespmem:s28+$0x87B0];
	s28 =	sshra.s32 s29, $0x2  }
0xe8: {  	v58 =	vbroadcast v29, $0xF;
	v42 =	vnsel vm5, $0x0, v2;
	v20 =	vbroadcast v20, $0xF;
	v2 =	vld [tilespmem:s28+$0x7D0]  }
0xe9: {  	v8 =	vmul.f32 v10, v48;
	v10 =	vmul.f32 v52, v51;
	v5 =	vadd.f32 v5, v9;
	v36 =	vld [tilespmem:s28+$0x770]  }
0xea: {  	v13 =	vbroadcast v13, $0xF;
	v54 =	vnsel vm0, $0x0, v20;
	v11 =	vadd.f32 v14, v11;
	v37 =	vld [tilespmem:s28+$0x750]  }
0xeb: {  	(xrf2) =	vadd.scan.msk.f32 $0xffff, v7;
	v7 =	vadd.f32 $0.0e+00, v54;
	v5 =	vadd.f32 v39, v5;
	v55 =	vmul.f32 v17, v23;
	v17, _, _ =	vpop (xrf2);
	v39 =	vld [tilespmem:s28+$0x8750]  }
0xec: {  	v52 =	vbroadcast v32, $0xF;
	v13 =	vnsel vm1, $0x0, v13;
	(xrf2) =	vadd.scan.msk.f32 $0xffff, v11;
	v11 =	vnsel vm13, $0x0, v58;
	v61, _, _ =	vpop (xrf2);
	v58 =	vld [tilespmem:s28+$0x6D0]  }
0xed: {  	v17 =	vbroadcast v17, $0xF;
	v7 =	vadd.f32 v13, v7;
	v13 =	vbroadcast v61, $0xF;
	v61 =	vld [tilespmem:s28+$0x86C0]  }
0xee: {  	v54 =	vnsel vm9, $0x0, v52;
	v18 =	vmul.f32 v21, v18;
	v6 =	vadd.f32 v55, v6;
	v52 =	vld [tilespmem:s28+$0x5F0]  }
0xef: {  	v57 =	vnsel vm2, $0x0, v17;
	v17 =	vld [tilespmem:s28+$0x680]  }
0xf0: {  	v6 =	vadd.f32 v18, v6;
	v18 =	vld [tilespmem:s28+$0x5B0]  }
0xf1: {  	v63 =	vmul.f32 v19, v16;
	v19 =	vld [tilespmem:s28+$0x85B0]  }
0xf2: {  	v16 =	vadd.f32 $0.0e+00, v4;
	v4 =	vld [tilespmem:s28+$0x640]  }
0xf3: {  	v29 =	vld [tilespmem:s28+$0x570]  }
0xf4: {  	v56 =	vbroadcast v31, $0xF;
	v31 =	vld [tilespmem:s28+$0x8570]  }
0xf5: {  	v20 =	vld [tilespmem:s28+$0x5A0]  }
0xf6: {  	[tilespmem:$0x1FF20] =	vst v2;
	v2 =	vld [tilespmem:s28+$0x87D0]  }
0xf7: {  	v21 =	vld [tilespmem:s28+$0x85A0]  }
0xf8: {  	v22 =	vld [tilespmem:s28+$0x530]  }
0xf9: {  	v3 =	vbroadcast v3, $0xF;
	v23 =	vld [tilespmem:s28+$0x8530]  }
0xfa: {  	v7 =	vadd.f32 v57, v7;
	v32 =	vld [tilespmem:s28+$0x4F0]  }
0xfb: {  	v3 =	vnsel vm3, $0x0, v3;
	[tilespmem:$0x1FF30] =	vst v2;
	v2 =	vld [tilespmem:s28+$0x7C0]  }
0xfc: {  	v48 =	vmul.f32 v35, v33;
	v33 =	vld [tilespmem:s28+$0x84F0];
	v3 =	vadd.f32 v3, v7  }
0xfd: {  	v10 =	vadd.f32 $0.0e+00, v10;
	v47 =	vadd.f32 v24, v16;
	v24 =	vld [tilespmem:s28+$0x520];
	v34 =	vnsel vm4, $0x0, v13  }
0xfe: {  	v25 =	vld [tilespmem:s28+$0x8520];
	v3 =	vadd.f32 v34, v3;
	v41, _, _ =	vpop (xrf2)  }
0xff: {  	v8 =	vadd.f32 v8, v10;
	v26 =	vld [tilespmem:s28+$0x4B0];
	v10 =	vbroadcast v41, $0xF  }
0x100: {  	v46 =	vbroadcast v28, $0xF;
	v13 =	vadd.f32 v42, v3;
	[tilespmem:$0x1FF40] =	vst v2;
	v2 =	vld [tilespmem:s28+$0x87C0]  }
0x101: {  	v27 =	vld [tilespmem:s28+$0x84B0];
	v45 =	vnsel vm6, $0x0, v10  }
0x102: {  	v50 =	vnsel vm7, $0x0, v46;
	v46 =	vld [tilespmem:s28+$0x84E0];
	(xrf2) =	vadd.scan.msk.f32 $0xffff, v6;
	v6 =	vadd.f32 v45, v13;
	v49, _, _ =	vpop (xrf2)  }
0x103: {  	v35 =	vld [tilespmem:s28+$0x8470];
	v51 =	vbroadcast v49, $0xF  }
0x104: {  	v28 =	vld [tilespmem:s28+$0x4A0];
	v9 =	vadd.f32 v50, v6  }
0x105: {  	v30 =	vld [tilespmem:s28+$0x84A0];
	[tilespmem:$0x1FF50] =	vst v2;
	v2 =	vnsel vm8, $0x0, v51  }
0x106: {  	v9 =	vadd.f32 v2, v9;
	v2 =	vld [tilespmem:s28+$0x790]  }
0x107: {  	v62 =	vadd.f32 v59, v8;
	v8 =	vmul.f32 v43, v40;
	v43 =	vld [tilespmem:s28+$0x86F0]  }
0x108: {  	v40 =	vld [tilespmem:s28+$0x560]  }
0x109: {  	v7 =	vadd.f32 v48, v47;
	v47 =	vld [tilespmem:s28+$0x8760]  }
0x10a: {  	v48 =	vld [tilespmem:s28+$0x670]  }
0x10b: {  	[tilespmem:$0x1FF60] =	vst v2;
	v2 =	vld [tilespmem:s28+$0x8790]  }
0x10c: {  	v38 =	vadd.f32 v63, v62;
	v62 =	vld [tilespmem:s28+$0x650]  }
0x10d: {  	v63 =	vld [tilespmem:s28+$0x8650];
	v53, _, _ =	vpop (xrf2)  }
0x10e: {  	v34 =	vld [tilespmem:s28+$0x470];
	v55 =	vbroadcast v53, $0xF  }
0x10f: {  	v7 =	vadd.f32 v8, v7;
	v41 =	vld [tilespmem:s28+$0x8560];
	v8 =	vadd.f32 v54, v9  }
0x110: {  	(xrf2) =	vadd.scan.msk.f32 $0xffff, v38;
	v38 =	vld [tilespmem:s28+$0x8770];
	[tilespmem:$0x1FF70] =	vst v2;
	v2 =	vnsel vm10, $0x0, v55  }
0x111: {  	v8 =	vadd.f32 v2, v8;
	v2 =	vld [tilespmem:s28+$0x780]  }
0x112: {  	v42 =	vld [tilespmem:s28+$0x6F0]  }
0x113: {  	v44 =	vmul.f32 v15, v60;
	v15 =	vmul.f32 v39, v37;
	v37 =	vld [tilespmem:s28+$0x430]  }
0x114: {  	v39 =	vld [tilespmem:s28+$0x8430]  }
0x115: {  	v5 =	vadd.f32 v44, v5;
	v10 =	vnsel vm11, $0x0, v56;
	v56 =	vld [tilespmem:s28+$0x660]  }
0x116: {  	[tilespmem:$0x1FF80] =	vst v2;
	v2 =	vld [tilespmem:s28+$0x8780]  }
0x117: {  	v44 =	vld [tilespmem:s28+$0x4E0];
	(xrf2) =	vadd.scan.msk.f32 $0xffff, v5  }
0x118: {  	v45 =	vld [tilespmem:s28+$0x760];
	(xrf2) =	vadd.scan.msk.f32 $0xffff, v7  }
0x119: {  	v13 =	vld [tilespmem:s28+$0x8540]  }
0x11a: {  	v49 =	vld [tilespmem:s28+$0x8670]  }
0x11b: {  	[tilespmem:$0x1FF90] =	vst v2;
	v2 =	vld [tilespmem:s28+$0x710]  }
0x11c: {  	v5 =	vld [tilespmem:s28+$0x8640]  }
0x11d: {  	v50 =	vld [tilespmem:s28+$0x6E0]  }
0x11e: {  	v6 =	vld [tilespmem:s28+$0x5D0]  }
0x11f: {  	v7 =	vld [tilespmem:s28+$0x85D0]  }
0x120: {  	v57, _, _ =	vpop (xrf2);
	[tilespmem:$0x1FFA0] =	vst v2;
	v2 =	vld [tilespmem:s28+$0x8710]  }
0x121: {  	v53 =	vld [tilespmem:s28+$0x85F0];
	v59, _, _ =	vpop (xrf2)  }
0x122: {  	v51 =	vld [tilespmem:s28+$0x86E0];
	v60, _, _ =	vpop (xrf2)  }
0x123: {  	v12 =	vsel vm15, $0x0, v60;
	v60 =	vld [tilespmem:s28+$0x6C0]  }
0x124: {  	v54 =	vld [tilespmem:s28+$0x740]  }
0x125: {  	v9 =	vbroadcast v57, $0xF;
	[tilespmem:$0x1FFB0] =	vst v2;
	v2 =	vld [tilespmem:s28+$0x700]  }
0x126: {  	v57 =	vld [tilespmem:s28+$0x8660]  }
0x127: {  	v3 =	vnsel vm12, $0x0, v9;
	v9 =	vld [tilespmem:s28+$0x85C0]  }
0x128: {  	v55 =	vld [tilespmem:s28+$0x8740]  }
0x129: {  	v50 =	vmul.f32 v51, v50;
	v51 =	vld [tilespmem:s28+$0x8440]  }
0x12a: {  	v8 =	vadd.f32 v10, v8;
	[tilespmem:$0x1FFC0] =	vst v2;
	v2 =	vld [tilespmem:s28+$0x8700]  }
0x12b: {  	v10 =	vbroadcast v59, $0xF;
	v59 =	vld [tilespmem:s28+$0x86D0]  }
0x12c: {  	v8 =	vadd.f32 v3, v8;
	v3 =	vld [tilespmem:s28+$0x85E0]  }
0x12d: {  	v14 =	vmul.f32 v55, v54;
	v54 =	vld [tilespmem:s28+$0x4D0]  }
0x12e: {  	v55 =	vld [tilespmem:s28+$0x84D0];
	v11 =	vadd.f32 v11, v8  }
0x12f: {  	v10 =	vnsel vm14, $0x0, v10;
	[tilespmem:$0x1FFD0] =	vst v2;
	v2 =	vld [tilespmem:s28+$0x630]  }
0x130: {  	v8 =	vld [tilespmem:s28+$0x5C0];
	v14 =	vadd.f32 $0.0e+00, v14;
	v10 =	vadd.f32 v10, v11  }
0x131: {  	v60 =	vmul.f32 v61, v60;
	v11 =	vld [tilespmem:s28+$0x8550]  }
0x132: {  	v14 =	vadd.f32 v15, v14;
	v15 =	vmul.f32 v47, v45;
	v45 =	vld [tilespmem:s28+$0x460];
	v10 =	vadd.f32 v12, v10  }
0x133: {  	v60 =	vadd.f32 $0.0e+00, v60;
	v58 =	vmul.f32 v59, v58;
	v47 =	vld [tilespmem:s28+$0x8460]  }
0x134: {  	v0 =	vadd.f32 v10, v0;
	v10 =	vmul.f32 $1.442695020e+00, v10;
	[tilespmem:$0x1FFE0] =	vst v2;
	v2 =	vld [tilespmem:s28+$0x690]  }
0x135: {  	v4 =	vmul.f32 v5, v4;
	v61 =	vadd.f32 v58, v60;
	v58 =	vld [tilespmem:s28+$0x84C0]  }
0x136: {  	v12 =	vld [tilespmem:s28+$0x540];
	(erf) = vpow2.f32 v10  }
0x137: {  	v62 =	vmul.f32 v63, v62;
	v4 =	vadd.f32 $0.0e+00, v4;
	v5 =	vadd.f32 v15, v14;
	v15 =	vld [tilespmem:s28+$0x4C0]  }
0x138: {  	v14 =	vmul.f32 v38, v36;
	v36 =	vld [tilespmem:s28+$0x420]  }
0x139: {  	v4 =	vadd.f32 v62, v4;
	v59 =	vmul.f32 v57, v56;
	[tilespmem:$0x1FFF0] =	vst v2;
	v2 =	vld [tilespmem:s28+$0x5E0]  }
0x13a: {  	v38 =	vld [tilespmem:s28+$0x8420];
	v8 =	vmul.f32 v9, v8  }
0x13b: {  	p0 =	sne.s32 s29, $0x1F000;
	v4 =	vadd.f32 v59, v4;
	v63 =	vadd.f32 v50, v61;
	v50 =	vmul.f32 v43, v42;
	v10 =	vld [tilespmem:s28+$0x550]  }
.Ltmp0:
0x13c: {  	v6 =	vmul.f32 v7, v6;
	v42 =	vld [tilespmem:s28+$0x450];
	v5 =	vadd.f32 v14, v5;
	v60 =	vadd.f32 $0.0e+00, v8;
	(pc) =	sbr.rel @p0 .LBB2_2-.Ltmp0, $4  }
0x13d: {  	v61 =	vadd.f32 v50, v63;
	v50 =	vld [tilespmem:s28+$0x440];
	v63 =	vmul.f32 v49, v48;
	v62 =	vmul.f32 v13, v12  }
0x13e: {  	v52 =	vmul.f32 v53, v52;
	v48 =	vld [tilespmem:s28+$0x8450];
	(xrf2) =	vadd.scan.msk.f32 $0xffff, v5;
	v5 =	vadd.f32 v6, v60;
	v2 =	vmul.f32 v3, v2  }
0x13f: {  	v49 =	vld [tilespmem:s28+$0x400];
	v43 =	vadd.f32 v63, v4;
	v57 =	vmul.f32 v58, v15;
	v59 =	vadd.f32 $0.0e+00, v62;
	v16 =	vpop (erf)  }
0x140: {  	s29 =	sadd.s32 $0x1000, s29;
	(xrf2) =	vadd.scan.msk.f32 $0xffff, v61;
	v56 =	vmul.f32 v11, v10;
	v1 =	vadd.f32 v16, v1;
	v16 =	vld [tilespmem:s28+$0x620];
	v58 =	vadd.f32 v2, v5  }
0x141: {  	v2 =	vld [tilespmem:s28+$0x8400]  }
0x142: {  	v4 =	vld [tilespmem:s28+$0x410]  }
0x143: {  	v8 =	vld [tilespmem:s28+$0x8410]  }
0x144: {  	v11 =	vld [tilespmem:s28+$0x480]  }
0x145: {  	v61 =	vld [tilespmem:s28+$0x8480]  }
0x146: {  	v13 =	vld [tilespmem:s28+$0x490]  }
0x147: {  	v15 =	vld [tilespmem:s28+$0x8490]  }
0x148: {  	v63 =	vld [tilespmem:s28+$0x500]  }
0x149: {  	v62 =	vmul.f32 v33, v32;
	v33 =	vld [tilespmem:s28+$0x8500]  }
0x14a: {  	v5 =	vmul.f32 v41, v40;
	v41 =	vld [tilespmem:s28+$0x510]  }
0x14b: {  	v60 =	vmul.f32 v46, v44;
	v44 =	vld [tilespmem:s28+$0x8510]  }
0x14c: {  	v32 =	vmul.f32 v47, v45;
	v47 =	vld [tilespmem:s28+$0x580]  }
0x14d: {  	v7 =	vmul.f32 v55, v54;
	v54 =	vld [tilespmem:s28+$0x8590]  }
0x14e: {  	v12 =	vmul.f32 v31, v29;
	v29 =	vld [tilespmem:$0x1FF40]  }
0x14f: {  	v31 =	vld [tilespmem:s28+$0x8680]  }
0x150: {  	(xrf2) =	vadd.scan.msk.f32 $0xffff, v43;
	v43 =	vmul.f32 v39, v37;
	v37 =	vld [tilespmem:s28+$0x8690]  }
0x151: {  	v39 =	vld [tilespmem:s28+$0x8630]  }
0x152: {  	v6 =	vadd.f32 $0.0e+00, v57;
	v10 =	vmul.f32 v51, v50;
	v50 =	vld [tilespmem:s28+$0x8580]  }
0x153: {  	v9 =	vadd.f32 v52, v58;
	v52 =	vld [tilespmem:s28+$0x590]  }
0x154: {  	v3 =	vadd.f32 v56, v59;
	v56 =	vld [tilespmem:s28+$0x600];
	v59 =	vadd.f32 v7, v6;
	v2 =	vmul.f32 v2, v49  }
0x155: {  	v58 =	vld [tilespmem:s28+$0x8600];
	v14 =	vmul.f32 v48, v42;
	v42 =	vmul.f32 v35, v34;
	v10 =	vadd.f32 $0.0e+00, v10  }
0x156: {  	v34 =	vld [tilespmem:$0x1FF60];
	v3 =	vadd.f32 v5, v3;
	v4 =	vmul.f32 v8, v4;
	v2 =	vadd.f32 $0.0e+00, v2  }
0x157: {  	v35 =	vld [tilespmem:$0x1FF70];
	v5 =	vadd.f32 v60, v59;
	v10 =	vadd.f32 v14, v10;
	v7 =	vmul.f32 v61, v11  }
0x158: {  	v40 =	vmul.f32 v38, v36;
	v59 =	vld [tilespmem:$0x1FF20];
	v3 =	vadd.f32 v12, v3;
	v2 =	vadd.f32 v4, v2  }
0x159: {  	v60 =	vld [tilespmem:$0x1FF30];
	v46 =	vmul.f32 v15, v13;
	v10 =	vadd.f32 v32, v10;
	v45 =	vadd.f32 $0.0e+00, v7  }
0x15a: {  	(xrf2) =	vadd.scan.msk.f32 $0xffff, v9;
	v51 =	vmul.f32 v33, v63;
	v63 =	vld [tilespmem:s28+$0x610];
	v5 =	vadd.f32 v62, v5;
	v2 =	vadd.f32 v40, v2  }
0x15b: {  	v49 =	vmul.f32 v30, v28;
	v28 =	vld [tilespmem:s28+$0x8610];
	(xrf2) =	vadd.scan.msk.f32 $0xffff, v3;
	v48 =	vadd.f32 v42, v10;
	v4 =	vadd.f32 v46, v45  }
0x15c: {  	v30 =	vld [tilespmem:$0x1FF50];
	(xrf2) =	vadd.scan.msk.f32 $0xffff, v5;
	v2 =	vadd.f32 v43, v2  }
0x15d: {  	v53 =	vmul.f32 v27, v26;
	v33 =	vld [tilespmem:s28+$0x8620];
	(xrf2) =	vadd.scan.msk.f32 $0xffff, v48;
	v4 =	vadd.f32 v49, v4  }
0x15e: {  	v55 =	vmul.f32 v44, v41;
	v41 =	vld [tilespmem:$0x1FF90];
	v5 =	vadd.f32 $0.0e+00, v51;
	(xrf2) =	vadd.scan.msk.f32 $0xffff, v2  }
0x15f: {  	v62 =	vmul.f32 v50, v47;
	v47 =	vld [tilespmem:$0x1FFB0];
	v3 =	vadd.f32 v53, v4  }
0x160: {  	v57 =	vmul.f32 v25, v24;
	v6 =	vmul.f32 v54, v52;
	v54 =	vld [tilespmem:$0x1FFC0];
	v61 =	vadd.f32 v55, v5  }
0x161: {  	v27 =	vmul.f32 v23, v22;
	v38 =	vmul.f32 v19, v18;
	v51 =	vld [tilespmem:$0x1FFF0];
	v2, _, _ =	vpop (xrf2)  }
0x162: {  	v36 =	vmul.f32 v58, v56;
	v45 =	vld [tilespmem:s28+$0x86A0];
	v5 =	vadd.f32 $0.0e+00, v62;
	v4 =	vadd.f32 v57, v61;
	(xrf2) =	vadd.scan.msk.f32 $0xffff, v3;
	v22, _, _ =	vpop (xrf2)  }
0x163: {  	v32 =	vmul.f32 v21, v20;
	v21 =	vmul.f32 v35, v34;
	v46 =	vld [tilespmem:$0x1FFA0];
	v3, _, _ =	vpop (xrf2)  }
0x164: {  	v7 =	vmul.f32 v31, v17;
	v55 =	vld [tilespmem:$0x1FFD0];
	v5 =	vadd.f32 v6, v5;
	v4 =	vadd.f32 v27, v4;
	v23, _, _ =	vpop (xrf2)  }
0x165: {  	v14 =	vmul.f32 v60, v59;
	v15 =	vmul.f32 v30, v29;
	v53 =	vld [tilespmem:$0x1FFE0];
	v10, _, _ =	vpop (xrf2)  }
0x166: {  	v8 =	vmul.f32 v28, v63;
	v40 =	vld [tilespmem:$0x1FF80];
	v6 =	vadd.f32 $0.0e+00, v36;
	v5 =	vadd.f32 v32, v5;
	(xrf2) =	vadd.scan.msk.f32 $0xffff, v4;
	v42, _, _ =	vpop (xrf2)  }
0x167: {  	v7 =	vadd.f32 $0.0e+00, v7;
	v48 =	vmul.f32 v33, v16;
	v43 =	vld [tilespmem:s28+$0x6A0];
	v9 =	vmul.f32 v37, v51;
	v44, _, _ =	vpop (xrf2)  }
0x168: {  	v52 =	vld [tilespmem:s28+$0x86B0];
	v17 =	vmul.f32 v47, v46;
	v6 =	vadd.f32 v8, v6;
	v5 =	vadd.f32 v38, v5;
	v50, _, _ =	vpop (xrf2)  }
0x169: {  	v49 =	vld [tilespmem:s28+$0x6B0];
	v18 =	vmul.f32 v55, v54;
	v16 =	vbroadcast v50, $0xF  }
0x16a: {  	v56 =	vld [tilespmem:s28+$0x720];
	v7 =	vadd.f32 v9, v7;
	v6 =	vadd.f32 v48, v6;
	v8 =	vmul.f32 v39, v53;
	(xrf2) =	vadd.scan.msk.f32 $0xffff, v5  }
0x16b: {  	v58 =	vld [tilespmem:s28+$0x8720];
	v19 =	vmul.f32 v41, v40;
	v4 =	vbroadcast v44, $0xF;
	v57 =	vnsel vm0, $0x0, v16  }
0x16c: {  	v60 =	vld [tilespmem:s28+$0x730];
	v59 =	vmul.f32 v45, v43;
	v6 =	vadd.f32 v8, v6;
	v61, _, _ =	vpop (xrf2);
	v5 =	vadd.f32 $0.0e+00, v57  }
0x16d: {  	v63 =	vld [tilespmem:s28+$0x8730];
	v62 =	vadd.f32 $0.0e+00, v18;
	v4 =	vnsel vm1, $0x0, v4;
	v12 =	vbroadcast v61, $0xF  }
0x16e: {  	v28 =	vld [tilespmem:s28+$0x7A0];
	v27 =	vmul.f32 v52, v49;
	v26 =	vadd.f32 v59, v7;
	(xrf2) =	vadd.scan.msk.f32 $0xffff, v6;
	v4 =	vadd.f32 v4, v5  }
0x16f: {  	v32 =	vld [tilespmem:s28+$0x87A0];
	v31 =	vadd.f32 v17, v62;
	v30 =	vbroadcast v42, $0xF;
	v29 =	vnsel vm2, $0x0, v12  }
0x170: {  	v34 =	vld [tilespmem:s28+$0x7B0];
	v33 =	vmul.f32 v58, v56;
	v35, _, _ =	vpop (xrf2);
	v5 =	vadd.f32 v27, v26;
	v4 =	vadd.f32 v29, v4  }
0x171: {  	v37 =	vld [tilespmem:s28+$0x87B0];
	v36 =	vadd.f32 $0.0e+00, v19;
	v9 =	vbroadcast v35, $0xF;
	v12 =	vnsel vm3, $0x0, v30  }
0x172: {  	v11 =	vmul.f32 v63, v60;
	v38 =	vld [tilespmem:s28+$0x7E0];
	v6 =	vadd.f32 v33, v31;
	(xrf2) =	vadd.scan.msk.f32 $0xffff, v5;
	v4 =	vadd.f32 v12, v4  }
0x173: {  	v41 =	vadd.f32 v21, v36;
	v40 =	vbroadcast v10, $0xF;
	v42 =	vld [tilespmem:s28+$0x87E0];
	v39 =	vnsel vm4, $0x0, v9  }
0x174: {  	v47 =	vld [tilespmem:s28+$0x87F0];
	v44 =	vmul.f32 v32, v28;
	v43 =	vadd.f32 v11, v6;
	v46, _, _ =	vpop (xrf2);
	v4 =	vadd.f32 v39, v4  }
0x175: {  	v15 =	vadd.f32 $0.0e+00, v15;
	v45 =	vld [tilespmem:s28+$0x7F0];
	v11 =	vbroadcast v46, $0xF;
	v9 =	vnsel vm5, $0x0, v40  }
0x176: {  	v7 =	vmul.f32 v37, v34;
	v6 =	vadd.f32 v44, v41;
	(xrf2) =	vadd.scan.msk.f32 $0xffff, v43;
	v4 =	vadd.f32 v9, v4  }
0x177: {  	v49 =	vbroadcast v23, $0xF;
	v50 =	vadd.f32 v14, v15;
	v48 =	vnsel vm6, $0x0, v11  }
0x178: {  	v52 =	vmul.f32 v42, v38;
	v51 =	vadd.f32 v7, v6;
	v53, _, _ =	vpop (xrf2);
	v4 =	vadd.f32 v48, v4  }
0x179: {  	v7 =	vbroadcast v53, $0xF;
	v9 =	vnsel vm7, $0x0, v49  }
0x17a: {  	v8 =	vmul.f32 v47, v45;
	v6 =	vadd.f32 v52, v50;
	(xrf2) =	vadd.scan.msk.f32 $0xffff, v51;
	v4 =	vadd.f32 v9, v4  }
0x17b: {  	v3 =	vbroadcast v3, $0xF;
	v54 =	vnsel vm8, $0x0, v7  }
0x17c: {  	v55 =	vadd.f32 v8, v6;
	v56, _, _ =	vpop (xrf2);
	v4 =	vadd.f32 v54, v4  }
0x17d: {  	v3 =	vnsel vm9, $0x0, v3;
	v6 =	vbroadcast v56, $0xF  }
0x17e: {  	(xrf2) =	vadd.scan.msk.f32 $0xffff, v55;
	v3 =	vadd.f32 v3, v4  }
0x17f: {  	v58 =	vbroadcast v22, $0xF;
	v57 =	vnsel vm10, $0x0, v6  }
0x180: {  	v59, _, _ =	vpop (xrf2);
	v3 =	vadd.f32 v57, v3  }
0x181: {  	v5 =	vnsel vm11, $0x0, v58;
	v4 =	vbroadcast v59, $0xF  }
0x182: {  	v3 =	vadd.f32 v5, v3  }
0x183: {  	v2 =	vbroadcast v2, $0xF;
	v4 =	vnsel vm12, $0x0, v4  }
0x184: {  	v60, _, _ =	vpop (xrf2);
	v3 =	vadd.f32 v4, v3  }
0x185: {  	v2 =	vnsel vm13, $0x0, v2;
	v4 =	vbroadcast v60, $0xF  }
0x186: {  	v2 =	vadd.f32 v2, v3  }
0x187: {  	v61 =	vnsel vm14, $0x0, v4  }
0x188: {  	v62, _, _ =	vpop (xrf2);
	v2 =	vadd.f32 v61, v2  }
0x189: {  	v3 =	vsel vm15, $0x0, v62  }
0x18a: {  	v2 =	vadd.f32 v3, v2;
	_ =	sdelay $0x1  }
0x18b: {  	v3 =	vmul.f32 $1.442695020e+00, v2;
	_ =	sdelay $0x1  }
0x18c: {  	(erf) = vpow2.f32 v3;
	_ =	sdelay $0x8  }
0x18d: {  	v0 =	vadd.f32 v2, v0;
	v63 =	vpop (erf)  }
0x18e: {  	v1 =	vadd.f32 v63, v1  }
0x18f: {  	[tilespmem:$0x10400] =	vst v0  }
0x190: {  	[tilespmem:$0x10410] =	vst v1  }
0x191: {  	[hbm4b:s13+s2] =	stream.linear.scatter [tilespmem:s24], [sflag:$0x2], $0x10, $0x38;
	[tilespmem:$0x10420] =	vst v63  }
0x192: {  	s26 =	sadd.s32 $0x1, s26;
	_ =	swait.ge [sflag:s16], $0x10  }
0x193: {  	p0 =	sne.s32 s26, s15;
	[sflag:s16] =	ssyncset.done $0x0  }
.Ltmp1:
0x194: {  	[sflag:s16] =	ssyncadd.s32 $0xFFFFFFF0;
	(pc) =	sbr.rel @p0 .LBB2_1-.Ltmp1, $4  }
0x195: {  	[hbm4b:s14+s2] =	stream.linear.scatter [tilespmem:s25], [sflag:$0x2], $0x10, $0x38;
	[tilespmem:$0x10420] =	vst v63  }
0x196: {  	_ =	swait.ge [sflag:s16], $0x10  }
0x197: {  	[sflag:s16] =	ssyncset.done $0x0  }
0x198: {  	[sflag:s16] =	ssyncadd.s32 $0xFFFFFFF0  }
0x199: {  	_ =	sfence.sel $0x180000  }
0x19a: {  	[bflag:$0x0] =	sbarrier.arrive $0xFFFF  }
0x19b: {  	_ =	strace $0x90000047  }
0x19c: {  	s0 =	stileid.u32;
	[bflag:$0x2] =	sbarrier.arrive $0xFFFF  }
0x19d: {  	p0 =	sne.s32 s0, $0x0;
	s0 =	rddreg [dreg:$0x3]  }
0x19e: {  	s0 =	sadd.s32 @!p0 $0x100000, s0  }
0x19f: {  	[sflag:s0] =	ssyncadd.tile.s32 @!p0 $0x1;
	_ =	shalt  }
.Lfunc_end2:
_tile_overlayer_lowered:
.L_overlay_start_2:
0x1a0: {  	(tag) =	ssettag $0x2  }
0x1a1: {  	s0 =	rddreg [dreg:$0x0];
	s2 =	stileid.u32  }
0x1a2: {  	s1 =	rddreg [dreg:$0x1];
	p0 =	sne.s32 s2, $0x0  }
0x1a3: {  	s3 =	rddreg [dreg:$0x2];
	[bflag:$0x3] =	sbarrier.arrive $0xFFFF;
	s2 =	simm.s32 @!p0 $0x1C02  }
0x1a4: {  	[timem:s3], [sflag:s2] =	dma.local @!p0 [hbm:s0], s1  }
0x1a5: {  	s0 =	simm.s32 @!p0 $0x2  }
0x1a6: {  	_ =	swait.ge @!p0 [sflag:s0], s1  }
0x1a7: {  	s1 =	ssub.s32 @!p0 $0x0, s1;
	[sflag:s0] =	ssyncset.done @!p0 $0x0  }
0x1a8: {  	[sflag:s0] =	ssyncadd.s32 @!p0 s1  }
0x1a9: {  	[bflag:$0x3] =	sbarrier.arrive $0xFFFF  }
0x1aa: {  	_ =	shalt  }

</sc_bundles>
